<compile_context>
chip_gen: v7x
topology: tpu7x:2x2x1
jax: 0.10.2.dev20260603
libtpu: 0.0.44.dev20260713+nightly
codegen_flags: <defaults>
</compile_context>

<pallas_src>
import jax
import jax.numpy as jnp
from jax import lax
from jax.experimental import pallas as pl
from jax.experimental.pallas import tpu as pltpu
from jax.experimental.pallas import tpu_sc as plsc

_B, _H, _W = 8, 512, 512
_RBLK = 256



def _geo_kernel(score_ref, geo_ref, pred_geo_ref, edge_ref, out_ref, acc_ref):
    b = pl.program_id(0)
    i = pl.program_id(1)
    ni = pl.num_programs(1)

    @pl.when(i == 0)
    def _init_batch():
        acc_ref[0] = 0.0
        acc_ref[1] = 0.0

    @pl.when((b == 0) & (i == 0))
    def _init_total():
        acc_ref[2] = 0.0

    score = score_ref[0]
    edge = edge_ref[0]
    x = geo_ref[0] - pred_geo_ref[0]
    y = jnp.clip(x, -1.0, 1.0)
    sl1 = y * (x - 0.5 * y)
    chsum = jnp.sum(sl1, axis=0)
    mask = (score != 0.0).astype(jnp.float32)
    w = mask * (0.125 / edge)

    acc_ref[0] += jnp.sum(mask)
    acc_ref[1] += jnp.sum(chsum * w)

    @pl.when(i == ni - 1)
    def _finish_batch():
        acc_ref[2] += acc_ref[1] / jnp.maximum(acc_ref[0], 1.0)

        @pl.when(b == _B - 1)
        def _finalize():
            out_ref[0] = acc_ref[2] / float(_B)


def _geo_loss_mean(score, geo, pred_geo, edge):
    grid = (_B, _H // _RBLK)
    out = pl.pallas_call(
        _geo_kernel,
        grid=grid,
        in_specs=[
            pl.BlockSpec((1, _RBLK, _W), lambda b, i: (b, i, 0)),
            pl.BlockSpec((1, 8, _RBLK, _W), lambda b, i: (b, 0, i, 0)),
            pl.BlockSpec((1, 8, _RBLK, _W), lambda b, i: (b, 0, i, 0)),
            pl.BlockSpec((1, _RBLK, _W), lambda b, i: (b, i, 0)),
        ],
        out_specs=pl.BlockSpec(memory_space=pltpu.SMEM),
        out_shape=jax.ShapeDtypeStruct((1,), jnp.float32),
        scratch_shapes=[pltpu.SMEM((3,), jnp.float32)],
    )(score, geo, pred_geo, edge)
    return out[0]



_NC, _NS, _L = 2, 16, 16
_NW = _NC * _NS
_ROWS = _B * _H
_RPW = _ROWS // _NW
_CROWS = 32
_NCHUNK = _RPW // _CROWS


_UNROLL = 4


def _dice_partials(score, pred_score):
    s2d = score.reshape(_ROWS, _W)
    p2d = pred_score.reshape(_ROWS, _W)
    mesh = plsc.VectorSubcoreMesh(core_axis_name="c", subcore_axis_name="s")

    def run(s_hbm_arr, p_hbm_arr):
        @pl.kernel(
            out_type=jax.ShapeDtypeStruct((_NW, 2 * _L), jnp.float32),
            mesh=mesh,
            scratch_types=[
                pltpu.VMEM((2, _CROWS, _W), jnp.float32),
                pltpu.VMEM((2, _CROWS, _W), jnp.float32),
                pltpu.VMEM((2 * _L,), jnp.float32),
                pltpu.SemaphoreType.DMA,
                pltpu.SemaphoreType.DMA,
                pltpu.SemaphoreType.DMA,
                pltpu.SemaphoreType.DMA,
            ],
        )
        def k(s_hbm, p_hbm, out_hbm, sbuf, pbuf, obuf, ss0, ss1, sp0, sp1):
            wid = lax.axis_index("s") * _NC + lax.axis_index("c")
            base = wid * _RPW
            sems = ((ss0, sp0), (ss1, sp1))

            def copies(ci, bi):
                row0 = base + ci * _CROWS
                return (
                    pltpu.make_async_copy(
                        s_hbm.at[pl.ds(row0, _CROWS), :], sbuf.at[bi],
                        sems[bi][0]),
                    pltpu.make_async_copy(
                        p_hbm.at[pl.ds(row0, _CROWS), :], pbuf.at[bi],
                        sems[bi][1]),
                )

            for b in range(2):
                for c in copies(b, b):
                    c.start()

            def pair_body(g, accs):
                for b in range(2):
                    ci = g * 2 + b
                    for c in copies(ci, b):
                        c.wait()

                    def row_body(r, accs_r):
                        def vec_body(v, accs2):
                            a2, bc2 = accs2
                            for u in range(_UNROLL):
                                off = (v * _UNROLL + u) * _L
                                s = sbuf[b, r, pl.ds(off, _L)]
                                p = pbuf[b, r, pl.ds(off, _L)]
                                a2 = a2 + s * p
                                bc2 = bc2 + (s + p)
                            return (a2, bc2)

                        return lax.fori_loop(0, _W // (_L * _UNROLL),
                                             vec_body, accs_r)

                    accs = lax.fori_loop(0, _CROWS, row_body, accs)

                    nxt = ci + 2

                    @pl.when(nxt < _NCHUNK)
                    def _prefetch():
                        for c in copies(nxt, b):
                            c.start()

                return accs

            zero = jnp.zeros((_L,), jnp.float32)
            acc_a, acc_bc = lax.fori_loop(0, _NCHUNK // 2, pair_body,
                                          (zero, zero))
            obuf[pl.ds(0, _L)] = acc_a
            obuf[pl.ds(_L, _L)] = acc_bc
            pltpu.sync_copy(obuf, out_hbm.at[wid])

        return k(s_hbm_arr, p_hbm_arr)

    return run(s2d, p2d)


def kernel(score, pred_score, geo, pred_geo, edge):
    partials = _dice_partials(score, pred_score)
    geo_mean = _geo_loss_mean(score, geo, pred_geo, edge)
    per_batch = partials.reshape(_B, _NW // _B, 2, _L).sum(axis=(1, 3))
    a, bc = per_batch[:, 0], per_batch[:, 1]
    dice = 1.0 - 2.0 * a / bc
    return jnp.mean(dice) + geo_mean

# --- scband reference (transcript-rebuilt; emitter-appended) ---
"""Pipeline reference for scband-custom-loss-26989574488520 (READ-ONLY COPY).

The authoritative reference and input builder live on the scoring server;
editing this copy changes nothing except your own understanding.
"""

import jax, jax.numpy as jnp
import numpy as np

B, H, W = 8, 512, 512

def setup_inputs(seed: int = 0) -> dict:
    key = jax.random.key(seed)
    k1, k2, k3, k4, k5 = jax.random.split(key, 5)
    score = jax.random.uniform(k1, (B, H, W), dtype=jnp.float32)
    pred_score = jax.random.uniform(k2, (B, H, W), dtype=jnp.float32)
    geo = jax.random.normal(k3, (B, 8, H, W), dtype=jnp.float32)
    pred_geo = jax.random.normal(k4, (B, 8, H, W), dtype=jnp.float32)
    # edge is a per-pixel shortest-edge-length normalizer; keep it bounded away from 0
    edge = jax.random.uniform(k5, (B, H, W), dtype=jnp.float32, minval=0.5, maxval=1.5)
    return {"score": score, "pred_score": pred_score, "geo": geo, "pred_geo": pred_geo, "edge": edge}


def _smoothed_l1(x):
    return jnp.where(jnp.abs(x) < 1.0, 0.5 * x ** 2, jnp.abs(x) - 0.5)


def _quad_geo_loss(score, geo, pred_geo, edge):
    # Original gathers pixels where score != 0 via nonzero(); equivalently a masked mean.
    mask = (score != 0.0).astype(geo.dtype)  # [H, W]
    diff = _smoothed_l1(geo - pred_geo)       # [8, H, W]
    pix_loss = jnp.sum(diff, axis=0) / (8.0 * edge)  # [H, W]
    denom = jnp.maximum(jnp.sum(mask), 1.0)
    return jnp.sum(pix_loss * mask) / denom


def _dice_loss(score, score_pred):
    return 1.0 - 2.0 * jnp.sum(score * score_pred) / (jnp.sum(score) + jnp.sum(score_pred))


def reference(score, pred_score, geo, pred_geo, edge):
    # batched branch of the original forward (len(score.shape) == 3)
    geo_loss = jnp.mean(jax.vmap(_quad_geo_loss)(score, geo, pred_geo, edge))
    score_loss = jnp.mean(jax.vmap(_dice_loss)(score, pred_score))
    return score_loss + geo_loss

if __name__ == "__main__":
    import jax
    _d = setup_inputs()
    print(jax.jit(kernel)(*tuple(_d.values())))

</pallas_src>

<mosaic_0001>
#map = affine_map<(d0, d1) -> (0, 0)>
module attributes {stable_mosaic.version = 14 : i64} {
  func.func @k(%arg0: i32, %arg1: i32, %arg2: memref<4096x512xf32, #tpu.memory_space<hbm>>, %arg3: memref<4096x512xf32, #tpu.memory_space<hbm>>, %arg4: memref<32x32xf32, #tpu.memory_space<hbm>>, %arg5: memref<2x32x512xf32, #tpu.memory_space<vmem>>, %arg6: memref<2x32x512xf32, #tpu.memory_space<vmem>>, %arg7: memref<32xf32, #tpu.memory_space<vmem>>, %arg8: memref<!tpu.dma_semaphore, #tpu.memory_space<semaphore_mem>>, %arg9: memref<!tpu.dma_semaphore, #tpu.memory_space<semaphore_mem>>, %arg10: memref<!tpu.dma_semaphore, #tpu.memory_space<semaphore_mem>>, %arg11: memref<!tpu.dma_semaphore, #tpu.memory_space<semaphore_mem>>) attributes {dimension_semantics = [#tpu.dimension_semantics<core_parallel>, #tpu.dimension_semantics<subcore_parallel>], iteration_bounds = array<i64: 2, 16>, scalar_prefetch = 0 : i64, scratch_operands = 7 : i64, tpu.core_type = #tpu.core_type<sc_vector_subcore>, window_params = [{transform_indices = #map}, {transform_indices = #map}, {transform_indices = #map}]} {
    %mul3A = arith.constant 2 : i32
    %mul3A_0 = arith.muli %arg1, %mul3A : i32
    %add3A = arith.addi %mul3A_0, %arg0 : i32
    %mul3A_1 = arith.constant 128 : i32
    %mul3A_2 = arith.muli %add3A, %mul3A_1 : i32
    %add3A_3 = arith.constant 0 : i32
    %add3A_4 = arith.addi %mul3A_2, %add3A_3 : i32
    %dma_start3A = arith.constant 0 : i32
    %dma_start3A_5 = arith.constant 0 : i32
    %dma_start3A_6 = arith.constant 0 : i32
    %dma_start3A_7 = tpu.memref_slice %arg5[%dma_start3A, %dma_start3A_5, %dma_start3A_6] : memref<2x32x512xf32, #tpu.memory_space<vmem>> -> memref<1x32x512xf32, #tpu.memory_space<vmem>>
    %dma_start3A_8 = tpu.memref_squeeze %dma_start3A_7 : memref<1x32x512xf32, #tpu.memory_space<vmem>> -> memref<32x512xf32, #tpu.memory_space<vmem>>
    %dma_start3A_9 = arith.constant 0 : i32
    %dma_start3A_10 = tpu.memref_slice %arg2[%add3A_4, %dma_start3A_9] : memref<4096x512xf32, #tpu.memory_space<hbm>> -> memref<32x512xf32, #tpu.memory_space<hbm>>
    %dma_start3A_11 = arith.constant 0 : i32
    %dma_start3A_12 = arith.constant 0 : i32
    %dma_start3A_13 = tpu.memref_slice %arg5[%dma_start3A, %dma_start3A_11, %dma_start3A_12] : memref<2x32x512xf32, #tpu.memory_space<vmem>> -> memref<1x32x512xf32, #tpu.memory_space<vmem>>
    %dma_start3A_14 = tpu.memref_squeeze %dma_start3A_13 : memref<1x32x512xf32, #tpu.memory_space<vmem>> -> memref<32x512xf32, #tpu.memory_space<vmem>>
    %dma_start3A_15 = arith.constant 0 : i32
    %dma_start3A_16 = tpu.memref_slice %arg2[%add3A_4, %dma_start3A_15] : memref<4096x512xf32, #tpu.memory_space<hbm>> -> memref<32x512xf32, #tpu.memory_space<hbm>>
    tpu.enqueue_dma source(%dma_start3A_16 : memref<32x512xf32, #tpu.memory_space<hbm>>) target(%dma_start3A_14 : memref<32x512xf32, #tpu.memory_space<vmem>>) target_semaphore(%arg8 : memref<!tpu.dma_semaphore, #tpu.memory_space<semaphore_mem>>)
    %dma_start3A_17 = arith.constant 0 : i32
    %dma_start3A_18 = arith.constant 0 : i32
    %dma_start3A_19 = arith.constant 0 : i32
    %dma_start3A_20 = tpu.memref_slice %arg6[%dma_start3A_17, %dma_start3A_18, %dma_start3A_19] : memref<2x32x512xf32, #tpu.memory_space<vmem>> -> memref<1x32x512xf32, #tpu.memory_space<vmem>>
    %dma_start3A_21 = tpu.memref_squeeze %dma_start3A_20 : memref<1x32x512xf32, #tpu.memory_space<vmem>> -> memref<32x512xf32, #tpu.memory_space<vmem>>
    %dma_start3A_22 = arith.constant 0 : i32
    %dma_start3A_23 = tpu.memref_slice %arg3[%add3A_4, %dma_start3A_22] : memref<4096x512xf32, #tpu.memory_space<hbm>> -> memref<32x512xf32, #tpu.memory_space<hbm>>
    %dma_start3A_24 = arith.constant 0 : i32
    %dma_start3A_25 = arith.constant 0 : i32
    %dma_start3A_26 = tpu.memref_slice %arg6[%dma_start3A_17, %dma_start3A_24, %dma_start3A_25] : memref<2x32x512xf32, #tpu.memory_space<vmem>> -> memref<1x32x512xf32, #tpu.memory_space<vmem>>
    %dma_start3A_27 = tpu.memref_squeeze %dma_start3A_26 : memref<1x32x512xf32, #tpu.memory_space<vmem>> -> memref<32x512xf32, #tpu.memory_space<vmem>>
    %dma_start3A_28 = arith.constant 0 : i32
    %dma_start3A_29 = tpu.memref_slice %arg3[%add3A_4, %dma_start3A_28] : memref<4096x512xf32, #tpu.memory_space<hbm>> -> memref<32x512xf32, #tpu.memory_space<hbm>>
    tpu.enqueue_dma source(%dma_start3A_29 : memref<32x512xf32, #tpu.memory_space<hbm>>) target(%dma_start3A_27 : memref<32x512xf32, #tpu.memory_space<vmem>>) target_semaphore(%arg10 : memref<!tpu.dma_semaphore, #tpu.memory_space<semaphore_mem>>)
    %add3A_30 = arith.constant 32 : i32
    %add3A_31 = arith.addi %mul3A_2, %add3A_30 : i32
    %dma_start3A_32 = arith.constant 1 : i32
    %dma_start3A_33 = arith.constant 0 : i32
    %dma_start3A_34 = arith.constant 0 : i32
    %dma_start3A_35 = tpu.memref_slice %arg5[%dma_start3A_32, %dma_start3A_33, %dma_start3A_34] : memref<2x32x512xf32, #tpu.memory_space<vmem>> -> memref<1x32x512xf32, #tpu.memory_space<vmem>>
    %dma_start3A_36 = tpu.memref_squeeze %dma_start3A_35 : memref<1x32x512xf32, #tpu.memory_space<vmem>> -> memref<32x512xf32, #tpu.memory_space<vmem>>
    %dma_start3A_37 = arith.constant 0 : i32
    %dma_start3A_38 = tpu.memref_slice %arg2[%add3A_31, %dma_start3A_37] : memref<4096x512xf32, #tpu.memory_space<hbm>> -> memref<32x512xf32, #tpu.memory_space<hbm>>
    %dma_start3A_39 = arith.constant 0 : i32
    %dma_start3A_40 = arith.constant 0 : i32
    %dma_start3A_41 = tpu.memref_slice %arg5[%dma_start3A_32, %dma_start3A_39, %dma_start3A_40] : memref<2x32x512xf32, #tpu.memory_space<vmem>> -> memref<1x32x512xf32, #tpu.memory_space<vmem>>
    %dma_start3A_42 = tpu.memref_squeeze %dma_start3A_41 : memref<1x32x512xf32, #tpu.memory_space<vmem>> -> memref<32x512xf32, #tpu.memory_space<vmem>>
    %dma_start3A_43 = arith.constant 0 : i32
    %dma_start3A_44 = tpu.memref_slice %arg2[%add3A_31, %dma_start3A_43] : memref<4096x512xf32, #tpu.memory_space<hbm>> -> memref<32x512xf32, #tpu.memory_space<hbm>>
    tpu.enqueue_dma source(%dma_start3A_44 : memref<32x512xf32, #tpu.memory_space<hbm>>) target(%dma_start3A_42 : memref<32x512xf32, #tpu.memory_space<vmem>>) target_semaphore(%arg9 : memref<!tpu.dma_semaphore, #tpu.memory_space<semaphore_mem>>)
    %dma_start3A_45 = arith.constant 1 : i32
    %dma_start3A_46 = arith.constant 0 : i32
    %dma_start3A_47 = arith.constant 0 : i32
    %dma_start3A_48 = tpu.memref_slice %arg6[%dma_start3A_45, %dma_start3A_46, %dma_start3A_47] : memref<2x32x512xf32, #tpu.memory_space<vmem>> -> memref<1x32x512xf32, #tpu.memory_space<vmem>>
    %dma_start3A_49 = tpu.memref_squeeze %dma_start3A_48 : memref<1x32x512xf32, #tpu.memory_space<vmem>> -> memref<32x512xf32, #tpu.memory_space<vmem>>
    %dma_start3A_50 = arith.constant 0 : i32
    %dma_start3A_51 = tpu.memref_slice %arg3[%add3A_31, %dma_start3A_50] : memref<4096x512xf32, #tpu.memory_space<hbm>> -> memref<32x512xf32, #tpu.memory_space<hbm>>
    %dma_start3A_52 = arith.constant 0 : i32
    %dma_start3A_53 = arith.constant 0 : i32
    %dma_start3A_54 = tpu.memref_slice %arg6[%dma_start3A_45, %dma_start3A_52, %dma_start3A_53] : memref<2x32x512xf32, #tpu.memory_space<vmem>> -> memref<1x32x512xf32, #tpu.memory_space<vmem>>
    %dma_start3A_55 = tpu.memref_squeeze %dma_start3A_54 : memref<1x32x512xf32, #tpu.memory_space<vmem>> -> memref<32x512xf32, #tpu.memory_space<vmem>>
    %dma_start3A_56 = arith.constant 0 : i32
    %dma_start3A_57 = tpu.memref_slice %arg3[%add3A_31, %dma_start3A_56] : memref<4096x512xf32, #tpu.memory_space<hbm>> -> memref<32x512xf32, #tpu.memory_space<hbm>>
    tpu.enqueue_dma source(%dma_start3A_57 : memref<32x512xf32, #tpu.memory_space<hbm>>) target(%dma_start3A_55 : memref<32x512xf32, #tpu.memory_space<vmem>>) target_semaphore(%arg11 : memref<!tpu.dma_semaphore, #tpu.memory_space<semaphore_mem>>)
    %broadcast_in_dim3A = arith.constant 0.000000e+00 : f32
    %broadcast_in_dim3A_58 = vector.broadcast %broadcast_in_dim3A : f32 to vector<16xf32>
    %scan3A = arith.constant 0 : i32
    %scan3A_59 = arith.constant 2 : i32
    %scan3A_60 = arith.addi %scan3A, %scan3A_59 : i32
    %scan3A_61 = arith.constant 1 : i32
    %scan3A_62:2 = scf.for %scan3A_71 = %scan3A to %scan3A_60 step %scan3A_61 iter_args(%scan3A_72 = %broadcast_in_dim3A_58, %scan3A_73 = %broadcast_in_dim3A_58) -> (vector<16xf32>, vector<16xf32>)  : i32 {
      %mul3A_74 = arith.constant 2 : i32
      %mul3A_75 = arith.muli %scan3A_71, %mul3A_74 : i32
      %add3A_76 = arith.constant 0 : i32
      %add3A_77 = arith.addi %mul3A_75, %add3A_76 : i32
      %mul3A_78 = arith.constant 32 : i32
      %mul3A_79 = arith.muli %add3A_77, %mul3A_78 : i32
      %add3A_80 = arith.addi %mul3A_2, %mul3A_79 : i32
      %dma_wait3A = arith.constant 0 : i32
      %dma_wait3A_81 = arith.constant 0 : i32
      %dma_wait3A_82 = arith.constant 0 : i32
      %dma_wait3A_83 = tpu.memref_slice %arg5[%dma_wait3A, %dma_wait3A_81, %dma_wait3A_82] : memref<2x32x512xf32, #tpu.memory_space<vmem>> -> memref<1x32x512xf32, #tpu.memory_space<vmem>>
      %dma_wait3A_84 = tpu.memref_squeeze %dma_wait3A_83 : memref<1x32x512xf32, #tpu.memory_space<vmem>> -> memref<32x512xf32, #tpu.memory_space<vmem>>
      %dma_wait3A_85 = arith.constant 0 : i32
      %dma_wait3A_86 = tpu.memref_slice %arg2[%add3A_80, %dma_wait3A_85] : memref<4096x512xf32, #tpu.memory_space<hbm>> -> memref<32x512xf32, #tpu.memory_space<hbm>>
      %dma_wait3A_87 = arith.constant 0 : i32
      %dma_wait3A_88 = arith.constant 0 : i32
      %dma_wait3A_89 = tpu.memref_slice %arg5[%dma_wait3A, %dma_wait3A_87, %dma_wait3A_88] : memref<2x32x512xf32, #tpu.memory_space<vmem>> -> memref<1x32x512xf32, #tpu.memory_space<vmem>>
      %dma_wait3A_90 = tpu.memref_squeeze %dma_wait3A_89 : memref<1x32x512xf32, #tpu.memory_space<vmem>> -> memref<32x512xf32, #tpu.memory_space<vmem>>
      %dma_wait3A_91 = arith.constant 0 : i32
      %dma_wait3A_92 = tpu.memref_slice %arg2[%add3A_80, %dma_wait3A_91] : memref<4096x512xf32, #tpu.memory_space<hbm>> -> memref<32x512xf32, #tpu.memory_space<hbm>>
      tpu.wait_dma2 semaphore(%arg8 : memref<!tpu.dma_semaphore, #tpu.memory_space<semaphore_mem>>) src(%dma_wait3A_92 : memref<32x512xf32, #tpu.memory_space<hbm>>) dst(%dma_wait3A_90 : memref<32x512xf32, #tpu.memory_space<vmem>>)
      %dma_wait3A_93 = arith.constant 0 : i32
      %dma_wait3A_94 = arith.constant 0 : i32
      %dma_wait3A_95 = arith.constant 0 : i32
      %dma_wait3A_96 = tpu.memref_slice %arg6[%dma_wait3A_93, %dma_wait3A_94, %dma_wait3A_95] : memref<2x32x512xf32, #tpu.memory_space<vmem>> -> memref<1x32x512xf32, #tpu.memory_space<vmem>>
      %dma_wait3A_97 = tpu.memref_squeeze %dma_wait3A_96 : memref<1x32x512xf32, #tpu.memory_space<vmem>> -> memref<32x512xf32, #tpu.memory_space<vmem>>
      %dma_wait3A_98 = arith.constant 0 : i32
      %dma_wait3A_99 = tpu.memref_slice %arg3[%add3A_80, %dma_wait3A_98] : memref<4096x512xf32, #tpu.memory_space<hbm>> -> memref<32x512xf32, #tpu.memory_space<hbm>>
      %dma_wait3A_100 = arith.constant 0 : i32
      %dma_wait3A_101 = arith.constant 0 : i32
      %dma_wait3A_102 = tpu.memref_slice %arg6[%dma_wait3A_93, %dma_wait3A_100, %dma_wait3A_101] : memref<2x32x512xf32, #tpu.memory_space<vmem>> -> memref<1x32x512xf32, #tpu.memory_space<vmem>>
      %dma_wait3A_103 = tpu.memref_squeeze %dma_wait3A_102 : memref<1x32x512xf32, #tpu.memory_space<vmem>> -> memref<32x512xf32, #tpu.memory_space<vmem>>
      %dma_wait3A_104 = arith.constant 0 : i32
      %dma_wait3A_105 = tpu.memref_slice %arg3[%add3A_80, %dma_wait3A_104] : memref<4096x512xf32, #tpu.memory_space<hbm>> -> memref<32x512xf32, #tpu.memory_space<hbm>>
      tpu.wait_dma2 semaphore(%arg10 : memref<!tpu.dma_semaphore, #tpu.memory_space<semaphore_mem>>) src(%dma_wait3A_105 : memref<32x512xf32, #tpu.memory_space<hbm>>) dst(%dma_wait3A_103 : memref<32x512xf32, #tpu.memory_space<vmem>>)
      %scan3A_106 = arith.constant 0 : i32
      %scan3A_107 = arith.constant 32 : i32
      %scan3A_108 = arith.addi %scan3A_106, %scan3A_107 : i32
      %scan3A_109 = arith.constant 1 : i32
      %scan3A_110:2 = scf.for %scan3A_162 = %scan3A_106 to %scan3A_108 step %scan3A_109 iter_args(%scan3A_163 = %scan3A_72, %scan3A_164 = %scan3A_73) -> (vector<16xf32>, vector<16xf32>)  : i32 {
        %scan3A_165 = arith.constant 0 : i32
        %scan3A_166 = arith.constant 8 : i32
        %scan3A_167 = arith.addi %scan3A_165, %scan3A_166 : i32
        %scan3A_168 = arith.constant 1 : i32
        %scan3A_169:2 = scf.for %scan3A_171 = %scan3A_165 to %scan3A_167 step %scan3A_168 iter_args(%scan3A_172 = %scan3A_163, %scan3A_173 = %scan3A_164) -> (vector<16xf32>, vector<16xf32>)  : i32 {
          %mul3A_174 = arith.constant 4 : i32
          %mul3A_175 = arith.muli %scan3A_171, %mul3A_174 : i32
          %add3A_176 = arith.constant 0 : i32
          %add3A_177 = arith.addi %mul3A_175, %add3A_176 : i32
          %mul3A_178 = arith.constant 16 : i32
          %mul3A_179 = arith.muli %add3A_177, %mul3A_178 : i32
          %get3A = arith.constant 0 : i32
          %get3A_180 = arith.index_cast %get3A : i32 to index
          %get3A_181 = arith.index_cast %scan3A_162 : i32 to index
          %get3A_182 = arith.index_cast %mul3A_179 : i32 to index
          %get3A_183 = tpu.vector_load %arg5[%get3A_180, %get3A_181, %get3A_182] {strides = array<i32>} : memref<2x32x512xf32, #tpu.memory_space<vmem>>, vector<1x1x16xf32>,
          %get3A_184 = vector.shape_cast %get3A_183 : vector<1x1x16xf32> to vector<16xf32>
          %get3A_185 = arith.constant 0 : i32
          %get3A_186 = arith.index_cast %get3A_185 : i32 to index
          %get3A_187 = arith.index_cast %scan3A_162 : i32 to index
          %get3A_188 = arith.index_cast %mul3A_179 : i32 to index
          %get3A_189 = tpu.vector_load %arg6[%get3A_186, %get3A_187, %get3A_188] {strides = array<i32>} : memref<2x32x512xf32, #tpu.memory_space<vmem>>, vector<1x1x16xf32>,
          %get3A_190 = vector.shape_cast %get3A_189 : vector<1x1x16xf32> to vector<16xf32>
          %mul3A_191 = arith.mulf %get3A_184, %get3A_190 : vector<16xf32>
          %add3A_192 = arith.addf %scan3A_172, %mul3A_191 : vector<16xf32>
          %add3A_193 = arith.addf %get3A_184, %get3A_190 : vector<16xf32>
          %add3A_194 = arith.addf %scan3A_173, %add3A_193 : vector<16xf32>
          %mul3A_195 = arith.constant 4 : i32
          %mul3A_196 = arith.muli %scan3A_171, %mul3A_195 : i32
          %add3A_197 = arith.constant 1 : i32
          %add3A_198 = arith.addi %mul3A_196, %add3A_197 : i32
          %mul3A_199 = arith.constant 16 : i32
          %mul3A_200 = arith.muli %add3A_198, %mul3A_199 : i32
          %get3A_201 = arith.constant 0 : i32
          %get3A_202 = arith.index_cast %get3A_201 : i32 to index
          %get3A_203 = arith.index_cast %scan3A_162 : i32 to index
          %get3A_204 = arith.index_cast %mul3A_200 : i32 to index
          %get3A_205 = tpu.vector_load %arg5[%get3A_202, %get3A_203, %get3A_204] {strides = array<i32>} : memref<2x32x512xf32, #tpu.memory_space<vmem>>, vector<1x1x16xf32>,
          %get3A_206 = vector.shape_cast %get3A_205 : vector<1x1x16xf32> to vector<16xf32>
          %get3A_207 = arith.constant 0 : i32
          %get3A_208 = arith.index_cast %get3A_207 : i32 to index
          %get3A_209 = arith.index_cast %scan3A_162 : i32 to index
          %get3A_210 = arith.index_cast %mul3A_200 : i32 to index
          %get3A_211 = tpu.vector_load %arg6[%get3A_208, %get3A_209, %get3A_210] {strides = array<i32>} : memref<2x32x512xf32, #tpu.memory_space<vmem>>, vector<1x1x16xf32>,
          %get3A_212 = vector.shape_cast %get3A_211 : vector<1x1x16xf32> to vector<16xf32>
          %mul3A_213 = arith.mulf %get3A_206, %get3A_212 : vector<16xf32>
          %add3A_214 = arith.addf %add3A_192, %mul3A_213 : vector<16xf32>
          %add3A_215 = arith.addf %get3A_206, %get3A_212 : vector<16xf32>
          %add3A_216 = arith.addf %add3A_194, %add3A_215 : vector<16xf32>
          %mul3A_217 = arith.constant 4 : i32
          %mul3A_218 = arith.muli %scan3A_171, %mul3A_217 : i32
          %add3A_219 = arith.constant 2 : i32
          %add3A_220 = arith.addi %mul3A_218, %add3A_219 : i32
          %mul3A_221 = arith.constant 16 : i32
          %mul3A_222 = arith.muli %add3A_220, %mul3A_221 : i32
          %get3A_223 = arith.constant 0 : i32
          %get3A_224 = arith.index_cast %get3A_223 : i32 to index
          %get3A_225 = arith.index_cast %scan3A_162 : i32 to index
          %get3A_226 = arith.index_cast %mul3A_222 : i32 to index
          %get3A_227 = tpu.vector_load %arg5[%get3A_224, %get3A_225, %get3A_226] {strides = array<i32>} : memref<2x32x512xf32, #tpu.memory_space<vmem>>, vector<1x1x16xf32>,
          %get3A_228 = vector.shape_cast %get3A_227 : vector<1x1x16xf32> to vector<16xf32>
          %get3A_229 = arith.constant 0 : i32
          %get3A_230 = arith.index_cast %get3A_229 : i32 to index
          %get3A_231 = arith.index_cast %scan3A_162 : i32 to index
          %get3A_232 = arith.index_cast %mul3A_222 : i32 to index
          %get3A_233 = tpu.vector_load %arg6[%get3A_230, %get3A_231, %get3A_232] {strides = array<i32>} : memref<2x32x512xf32, #tpu.memory_space<vmem>>, vector<1x1x16xf32>,
          %get3A_234 = vector.shape_cast %get3A_233 : vector<1x1x16xf32> to vector<16xf32>
          %mul3A_235 = arith.mulf %get3A_228, %get3A_234 : vector<16xf32>
          %add3A_236 = arith.addf %add3A_214, %mul3A_235 : vector<16xf32>
          %add3A_237 = arith.addf %get3A_228, %get3A_234 : vector<16xf32>
          %add3A_238 = arith.addf %add3A_216, %add3A_237 : vector<16xf32>
          %mul3A_239 = arith.constant 4 : i32
          %mul3A_240 = arith.muli %scan3A_171, %mul3A_239 : i32
          %add3A_241 = arith.constant 3 : i32
          %add3A_242 = arith.addi %mul3A_240, %add3A_241 : i32
          %mul3A_243 = arith.constant 16 : i32
          %mul3A_244 = arith.muli %add3A_242, %mul3A_243 : i32
          %get3A_245 = arith.constant 0 : i32
          %get3A_246 = arith.index_cast %get3A_245 : i32 to index
          %get3A_247 = arith.index_cast %scan3A_162 : i32 to index
          %get3A_248 = arith.index_cast %mul3A_244 : i32 to index
          %get3A_249 = tpu.vector_load %arg5[%get3A_246, %get3A_247, %get3A_248] {strides = array<i32>} : memref<2x32x512xf32, #tpu.memory_space<vmem>>, vector<1x1x16xf32>,
          %get3A_250 = vector.shape_cast %get3A_249 : vector<1x1x16xf32> to vector<16xf32>
          %get3A_251 = arith.constant 0 : i32
          %get3A_252 = arith.index_cast %get3A_251 : i32 to index
          %get3A_253 = arith.index_cast %scan3A_162 : i32 to index
          %get3A_254 = arith.index_cast %mul3A_244 : i32 to index
          %get3A_255 = tpu.vector_load %arg6[%get3A_252, %get3A_253, %get3A_254] {strides = array<i32>} : memref<2x32x512xf32, #tpu.memory_space<vmem>>, vector<1x1x16xf32>,
          %get3A_256 = vector.shape_cast %get3A_255 : vector<1x1x16xf32> to vector<16xf32>
          %mul3A_257 = arith.mulf %get3A_250, %get3A_256 : vector<16xf32>
          %add3A_258 = arith.addf %add3A_236, %mul3A_257 : vector<16xf32>
          %add3A_259 = arith.addf %get3A_250, %get3A_256 : vector<16xf32>
          %add3A_260 = arith.addf %add3A_238, %add3A_259 : vector<16xf32>
          scf.yield %add3A_258, %add3A_260 : vector<16xf32>, vector<16xf32>
        }
        %scan3A_170 = arith.constant 8 : i32
        scf.yield %scan3A_169#0, %scan3A_169#1 : vector<16xf32>, vector<16xf32>
      }
      %scan3A_111 = arith.constant 32 : i32
      %add3A_112 = arith.constant 2 : i32
      %add3A_113 = arith.addi %add3A_77, %add3A_112 : i32
      %lt3A = arith.constant 4 : i32
      %lt3A_114 = arith.cmpi slt, %add3A_113, %lt3A : i32
      %convert_element_type3A = arith.extui %lt3A_114 : i1 to i32
      %cond3A = arith.constant 0 : i32
      %cond3A_115 = arith.cmpi ne, %convert_element_type3A, %cond3A : i32
      scf.if %cond3A_115 {
        %mul3A_162 = arith.constant 32 : i32
        %mul3A_163 = arith.muli %add3A_113, %mul3A_162 : i32
        %add3A_164 = arith.addi %mul3A_2, %mul3A_163 : i32
        %dma_start3A_165 = arith.constant 0 : i32
        %dma_start3A_166 = arith.constant 0 : i32
        %dma_start3A_167 = arith.constant 0 : i32
        %dma_start3A_168 = tpu.memref_slice %arg5[%dma_start3A_165, %dma_start3A_166, %dma_start3A_167] : memref<2x32x512xf32, #tpu.memory_space<vmem>> -> memref<1x32x512xf32, #tpu.memory_space<vmem>>
        %dma_start3A_169 = tpu.memref_squeeze %dma_start3A_168 : memref<1x32x512xf32, #tpu.memory_space<vmem>> -> memref<32x512xf32, #tpu.memory_space<vmem>>
        %dma_start3A_170 = arith.constant 0 : i32
        %dma_start3A_171 = tpu.memref_slice %arg2[%add3A_164, %dma_start3A_170] : memref<4096x512xf32, #tpu.memory_space<hbm>> -> memref<32x512xf32, #tpu.memory_space<hbm>>
        %dma_start3A_172 = arith.constant 0 : i32
        %dma_start3A_173 = arith.constant 0 : i32
        %dma_start3A_174 = tpu.memref_slice %arg5[%dma_start3A_165, %dma_start3A_172, %dma_start3A_173] : memref<2x32x512xf32, #tpu.memory_space<vmem>> -> memref<1x32x512xf32, #tpu.memory_space<vmem>>
        %dma_start3A_175 = tpu.memref_squeeze %dma_start3A_174 : memref<1x32x512xf32, #tpu.memory_space<vmem>> -> memref<32x512xf32, #tpu.memory_space<vmem>>
        %dma_start3A_176 = arith.constant 0 : i32
        %dma_start3A_177 = tpu.memref_slice %arg2[%add3A_164, %dma_start3A_176] : memref<4096x512xf32, #tpu.memory_space<hbm>> -> memref<32x512xf32, #tpu.memory_space<hbm>>
        tpu.enqueue_dma source(%dma_start3A_177 : memref<32x512xf32, #tpu.memory_space<hbm>>) target(%dma_start3A_175 : memref<32x512xf32, #tpu.memory_space<vmem>>) target_semaphore(%arg8 : memref<!tpu.dma_semaphore, #tpu.memory_space<semaphore_mem>>)
        %dma_start3A_178 = arith.constant 0 : i32
        %dma_start3A_179 = arith.constant 0 : i32
        %dma_start3A_180 = arith.constant 0 : i32
        %dma_start3A_181 = tpu.memref_slice %arg6[%dma_start3A_178, %dma_start3A_179, %dma_start3A_180] : memref<2x32x512xf32, #tpu.memory_space<vmem>> -> memref<1x32x512xf32, #tpu.memory_space<vmem>>
        %dma_start3A_182 = tpu.memref_squeeze %dma_start3A_181 : memref<1x32x512xf32, #tpu.memory_space<vmem>> -> memref<32x512xf32, #tpu.memory_space<vmem>>
        %dma_start3A_183 = arith.constant 0 : i32
        %dma_start3A_184 = tpu.memref_slice %arg3[%add3A_164, %dma_start3A_183] : memref<4096x512xf32, #tpu.memory_space<hbm>> -> memref<32x512xf32, #tpu.memory_space<hbm>>
        %dma_start3A_185 = arith.constant 0 : i32
        %dma_start3A_186 = arith.constant 0 : i32
        %dma_start3A_187 = tpu.memref_slice %arg6[%dma_start3A_178, %dma_start3A_185, %dma_start3A_186] : memref<2x32x512xf32, #tpu.memory_space<vmem>> -> memref<1x32x512xf32, #tpu.memory_space<vmem>>
        %dma_start3A_188 = tpu.memref_squeeze %dma_start3A_187 : memref<1x32x512xf32, #tpu.memory_space<vmem>> -> memref<32x512xf32, #tpu.memory_space<vmem>>
        %dma_start3A_189 = arith.constant 0 : i32
        %dma_start3A_190 = tpu.memref_slice %arg3[%add3A_164, %dma_start3A_189] : memref<4096x512xf32, #tpu.memory_space<hbm>> -> memref<32x512xf32, #tpu.memory_space<hbm>>
        tpu.enqueue_dma source(%dma_start3A_190 : memref<32x512xf32, #tpu.memory_space<hbm>>) target(%dma_start3A_188 : memref<32x512xf32, #tpu.memory_space<vmem>>) target_semaphore(%arg10 : memref<!tpu.dma_semaphore, #tpu.memory_space<semaphore_mem>>)
      } else {
      }
      %mul3A_116 = arith.constant 2 : i32
      %mul3A_117 = arith.muli %scan3A_71, %mul3A_116 : i32
      %add3A_118 = arith.constant 1 : i32
      %add3A_119 = arith.addi %mul3A_117, %add3A_118 : i32
      %mul3A_120 = arith.constant 32 : i32
      %mul3A_121 = arith.muli %add3A_119, %mul3A_120 : i32
      %add3A_122 = arith.addi %mul3A_2, %mul3A_121 : i32
      %dma_wait3A_123 = arith.constant 1 : i32
      %dma_wait3A_124 = arith.constant 0 : i32
      %dma_wait3A_125 = arith.constant 0 : i32
      %dma_wait3A_126 = tpu.memref_slice %arg5[%dma_wait3A_123, %dma_wait3A_124, %dma_wait3A_125] : memref<2x32x512xf32, #tpu.memory_space<vmem>> -> memref<1x32x512xf32, #tpu.memory_space<vmem>>
      %dma_wait3A_127 = tpu.memref_squeeze %dma_wait3A_126 : memref<1x32x512xf32, #tpu.memory_space<vmem>> -> memref<32x512xf32, #tpu.memory_space<vmem>>
      %dma_wait3A_128 = arith.constant 0 : i32
      %dma_wait3A_129 = tpu.memref_slice %arg2[%add3A_122, %dma_wait3A_128] : memref<4096x512xf32, #tpu.memory_space<hbm>> -> memref<32x512xf32, #tpu.memory_space<hbm>>
      %dma_wait3A_130 = arith.constant 0 : i32
      %dma_wait3A_131 = arith.constant 0 : i32
      %dma_wait3A_132 = tpu.memref_slice %arg5[%dma_wait3A_123, %dma_wait3A_130, %dma_wait3A_131] : memref<2x32x512xf32, #tpu.memory_space<vmem>> -> memref<1x32x512xf32, #tpu.memory_space<vmem>>
      %dma_wait3A_133 = tpu.memref_squeeze %dma_wait3A_132 : memref<1x32x512xf32, #tpu.memory_space<vmem>> -> memref<32x512xf32, #tpu.memory_space<vmem>>
      %dma_wait3A_134 = arith.constant 0 : i32
      %dma_wait3A_135 = tpu.memref_slice %arg2[%add3A_122, %dma_wait3A_134] : memref<4096x512xf32, #tpu.memory_space<hbm>> -> memref<32x512xf32, #tpu.memory_space<hbm>>
      tpu.wait_dma2 semaphore(%arg9 : memref<!tpu.dma_semaphore, #tpu.memory_space<semaphore_mem>>) src(%dma_wait3A_135 : memref<32x512xf32, #tpu.memory_space<hbm>>) dst(%dma_wait3A_133 : memref<32x512xf32, #tpu.memory_space<vmem>>)
      %dma_wait3A_136 = arith.constant 1 : i32
      %dma_wait3A_137 = arith.constant 0 : i32
      %dma_wait3A_138 = arith.constant 0 : i32
      %dma_wait3A_139 = tpu.memref_slice %arg6[%dma_wait3A_136, %dma_wait3A_137, %dma_wait3A_138] : memref<2x32x512xf32, #tpu.memory_space<vmem>> -> memref<1x32x512xf32, #tpu.memory_space<vmem>>
      %dma_wait3A_140 = tpu.memref_squeeze %dma_wait3A_139 : memref<1x32x512xf32, #tpu.memory_space<vmem>> -> memref<32x512xf32, #tpu.memory_space<vmem>>
      %dma_wait3A_141 = arith.constant 0 : i32
      %dma_wait3A_142 = tpu.memref_slice %arg3[%add3A_122, %dma_wait3A_141] : memref<4096x512xf32, #tpu.memory_space<hbm>> -> memref<32x512xf32, #tpu.memory_space<hbm>>
      %dma_wait3A_143 = arith.constant 0 : i32
      %dma_wait3A_144 = arith.constant 0 : i32
      %dma_wait3A_145 = tpu.memref_slice %arg6[%dma_wait3A_136, %dma_wait3A_143, %dma_wait3A_144] : memref<2x32x512xf32, #tpu.memory_space<vmem>> -> memref<1x32x512xf32, #tpu.memory_space<vmem>>
      %dma_wait3A_146 = tpu.memref_squeeze %dma_wait3A_145 : memref<1x32x512xf32, #tpu.memory_space<vmem>> -> memref<32x512xf32, #tpu.memory_space<vmem>>
      %dma_wait3A_147 = arith.constant 0 : i32
      %dma_wait3A_148 = tpu.memref_slice %arg3[%add3A_122, %dma_wait3A_147] : memref<4096x512xf32, #tpu.memory_space<hbm>> -> memref<32x512xf32, #tpu.memory_space<hbm>>
      tpu.wait_dma2 semaphore(%arg11 : memref<!tpu.dma_semaphore, #tpu.memory_space<semaphore_mem>>) src(%dma_wait3A_148 : memref<32x512xf32, #tpu.memory_space<hbm>>) dst(%dma_wait3A_146 : memref<32x512xf32, #tpu.memory_space<vmem>>)
      %scan3A_149 = arith.constant 0 : i32
      %scan3A_150 = arith.constant 32 : i32
      %scan3A_151 = arith.addi %scan3A_149, %scan3A_150 : i32
      %scan3A_152 = arith.constant 1 : i32
      %scan3A_153:2 = scf.for %scan3A_162 = %scan3A_149 to %scan3A_151 step %scan3A_152 iter_args(%scan3A_163 = %scan3A_110#0, %scan3A_164 = %scan3A_110#1) -> (vector<16xf32>, vector<16xf32>)  : i32 {
        %scan3A_165 = arith.constant 0 : i32
        %scan3A_166 = arith.constant 8 : i32
        %scan3A_167 = arith.addi %scan3A_165, %scan3A_166 : i32
        %scan3A_168 = arith.constant 1 : i32
        %scan3A_169:2 = scf.for %scan3A_171 = %scan3A_165 to %scan3A_167 step %scan3A_168 iter_args(%scan3A_172 = %scan3A_163, %scan3A_173 = %scan3A_164) -> (vector<16xf32>, vector<16xf32>)  : i32 {
          %mul3A_174 = arith.constant 4 : i32
          %mul3A_175 = arith.muli %scan3A_171, %mul3A_174 : i32
          %add3A_176 = arith.constant 0 : i32
          %add3A_177 = arith.addi %mul3A_175, %add3A_176 : i32
          %mul3A_178 = arith.constant 16 : i32
          %mul3A_179 = arith.muli %add3A_177, %mul3A_178 : i32
          %get3A = arith.constant 1 : i32
          %get3A_180 = arith.index_cast %get3A : i32 to index
          %get3A_181 = arith.index_cast %scan3A_162 : i32 to index
          %get3A_182 = arith.index_cast %mul3A_179 : i32 to index
          %get3A_183 = tpu.vector_load %arg5[%get3A_180, %get3A_181, %get3A_182] {strides = array<i32>} : memref<2x32x512xf32, #tpu.memory_space<vmem>>, vector<1x1x16xf32>,
          %get3A_184 = vector.shape_cast %get3A_183 : vector<1x1x16xf32> to vector<16xf32>
          %get3A_185 = arith.constant 1 : i32
          %get3A_186 = arith.index_cast %get3A_185 : i32 to index
          %get3A_187 = arith.index_cast %scan3A_162 : i32 to index
          %get3A_188 = arith.index_cast %mul3A_179 : i32 to index
          %get3A_189 = tpu.vector_load %arg6[%get3A_186, %get3A_187, %get3A_188] {strides = array<i32>} : memref<2x32x512xf32, #tpu.memory_space<vmem>>, vector<1x1x16xf32>,
          %get3A_190 = vector.shape_cast %get3A_189 : vector<1x1x16xf32> to vector<16xf32>
          %mul3A_191 = arith.mulf %get3A_184, %get3A_190 : vector<16xf32>
          %add3A_192 = arith.addf %scan3A_172, %mul3A_191 : vector<16xf32>
          %add3A_193 = arith.addf %get3A_184, %get3A_190 : vector<16xf32>
          %add3A_194 = arith.addf %scan3A_173, %add3A_193 : vector<16xf32>
          %mul3A_195 = arith.constant 4 : i32
          %mul3A_196 = arith.muli %scan3A_171, %mul3A_195 : i32
          %add3A_197 = arith.constant 1 : i32
          %add3A_198 = arith.addi %mul3A_196, %add3A_197 : i32
          %mul3A_199 = arith.constant 16 : i32
          %mul3A_200 = arith.muli %add3A_198, %mul3A_199 : i32
          %get3A_201 = arith.constant 1 : i32
          %get3A_202 = arith.index_cast %get3A_201 : i32 to index
          %get3A_203 = arith.index_cast %scan3A_162 : i32 to index
          %get3A_204 = arith.index_cast %mul3A_200 : i32 to index
          %get3A_205 = tpu.vector_load %arg5[%get3A_202, %get3A_203, %get3A_204] {strides = array<i32>} : memref<2x32x512xf32, #tpu.memory_space<vmem>>, vector<1x1x16xf32>,
          %get3A_206 = vector.shape_cast %get3A_205 : vector<1x1x16xf32> to vector<16xf32>
          %get3A_207 = arith.constant 1 : i32
          %get3A_208 = arith.index_cast %get3A_207 : i32 to index
          %get3A_209 = arith.index_cast %scan3A_162 : i32 to index
          %get3A_210 = arith.index_cast %mul3A_200 : i32 to index
          %get3A_211 = tpu.vector_load %arg6[%get3A_208, %get3A_209, %get3A_210] {strides = array<i32>} : memref<2x32x512xf32, #tpu.memory_space<vmem>>, vector<1x1x16xf32>,
          %get3A_212 = vector.shape_cast %get3A_211 : vector<1x1x16xf32> to vector<16xf32>
          %mul3A_213 = arith.mulf %get3A_206, %get3A_212 : vector<16xf32>
          %add3A_214 = arith.addf %add3A_192, %mul3A_213 : vector<16xf32>
          %add3A_215 = arith.addf %get3A_206, %get3A_212 : vector<16xf32>
          %add3A_216 = arith.addf %add3A_194, %add3A_215 : vector<16xf32>
          %mul3A_217 = arith.constant 4 : i32
          %mul3A_218 = arith.muli %scan3A_171, %mul3A_217 : i32
          %add3A_219 = arith.constant 2 : i32
          %add3A_220 = arith.addi %mul3A_218, %add3A_219 : i32
          %mul3A_221 = arith.constant 16 : i32
          %mul3A_222 = arith.muli %add3A_220, %mul3A_221 : i32
          %get3A_223 = arith.constant 1 : i32
          %get3A_224 = arith.index_cast %get3A_223 : i32 to index
          %get3A_225 = arith.index_cast %scan3A_162 : i32 to index
          %get3A_226 = arith.index_cast %mul3A_222 : i32 to index
          %get3A_227 = tpu.vector_load %arg5[%get3A_224, %get3A_225, %get3A_226] {strides = array<i32>} : memref<2x32x512xf32, #tpu.memory_space<vmem>>, vector<1x1x16xf32>,
          %get3A_228 = vector.shape_cast %get3A_227 : vector<1x1x16xf32> to vector<16xf32>
          %get3A_229 = arith.constant 1 : i32
          %get3A_230 = arith.index_cast %get3A_229 : i32 to index
          %get3A_231 = arith.index_cast %scan3A_162 : i32 to index
          %get3A_232 = arith.index_cast %mul3A_222 : i32 to index
          %get3A_233 = tpu.vector_load %arg6[%get3A_230, %get3A_231, %get3A_232] {strides = array<i32>} : memref<2x32x512xf32, #tpu.memory_space<vmem>>, vector<1x1x16xf32>,
          %get3A_234 = vector.shape_cast %get3A_233 : vector<1x1x16xf32> to vector<16xf32>
          %mul3A_235 = arith.mulf %get3A_228, %get3A_234 : vector<16xf32>
          %add3A_236 = arith.addf %add3A_214, %mul3A_235 : vector<16xf32>
          %add3A_237 = arith.addf %get3A_228, %get3A_234 : vector<16xf32>
          %add3A_238 = arith.addf %add3A_216, %add3A_237 : vector<16xf32>
          %mul3A_239 = arith.constant 4 : i32
          %mul3A_240 = arith.muli %scan3A_171, %mul3A_239 : i32
          %add3A_241 = arith.constant 3 : i32
          %add3A_242 = arith.addi %mul3A_240, %add3A_241 : i32
          %mul3A_243 = arith.constant 16 : i32
          %mul3A_244 = arith.muli %add3A_242, %mul3A_243 : i32
          %get3A_245 = arith.constant 1 : i32
          %get3A_246 = arith.index_cast %get3A_245 : i32 to index
          %get3A_247 = arith.index_cast %scan3A_162 : i32 to index
          %get3A_248 = arith.index_cast %mul3A_244 : i32 to index
          %get3A_249 = tpu.vector_load %arg5[%get3A_246, %get3A_247, %get3A_248] {strides = array<i32>} : memref<2x32x512xf32, #tpu.memory_space<vmem>>, vector<1x1x16xf32>,
          %get3A_250 = vector.shape_cast %get3A_249 : vector<1x1x16xf32> to vector<16xf32>
          %get3A_251 = arith.constant 1 : i32
          %get3A_252 = arith.index_cast %get3A_251 : i32 to index
          %get3A_253 = arith.index_cast %scan3A_162 : i32 to index
          %get3A_254 = arith.index_cast %mul3A_244 : i32 to index
          %get3A_255 = tpu.vector_load %arg6[%get3A_252, %get3A_253, %get3A_254] {strides = array<i32>} : memref<2x32x512xf32, #tpu.memory_space<vmem>>, vector<1x1x16xf32>,
          %get3A_256 = vector.shape_cast %get3A_255 : vector<1x1x16xf32> to vector<16xf32>
          %mul3A_257 = arith.mulf %get3A_250, %get3A_256 : vector<16xf32>
          %add3A_258 = arith.addf %add3A_236, %mul3A_257 : vector<16xf32>
          %add3A_259 = arith.addf %get3A_250, %get3A_256 : vector<16xf32>
          %add3A_260 = arith.addf %add3A_238, %add3A_259 : vector<16xf32>
          scf.yield %add3A_258, %add3A_260 : vector<16xf32>, vector<16xf32>
        }
        %scan3A_170 = arith.constant 8 : i32
        scf.yield %scan3A_169#0, %scan3A_169#1 : vector<16xf32>, vector<16xf32>
      }
      %scan3A_154 = arith.constant 32 : i32
      %add3A_155 = arith.constant 2 : i32
      %add3A_156 = arith.addi %add3A_119, %add3A_155 : i32
      %lt3A_157 = arith.constant 4 : i32
      %lt3A_158 = arith.cmpi slt, %add3A_156, %lt3A_157 : i32
      %convert_element_type3A_159 = arith.extui %lt3A_158 : i1 to i32
      %cond3A_160 = arith.constant 0 : i32
      %cond3A_161 = arith.cmpi ne, %convert_element_type3A_159, %cond3A_160 : i32
      scf.if %cond3A_161 {
        %mul3A_162 = arith.constant 32 : i32
        %mul3A_163 = arith.muli %add3A_156, %mul3A_162 : i32
        %add3A_164 = arith.addi %mul3A_2, %mul3A_163 : i32
        %dma_start3A_165 = arith.constant 1 : i32
        %dma_start3A_166 = arith.constant 0 : i32
        %dma_start3A_167 = arith.constant 0 : i32
        %dma_start3A_168 = tpu.memref_slice %arg5[%dma_start3A_165, %dma_start3A_166, %dma_start3A_167] : memref<2x32x512xf32, #tpu.memory_space<vmem>> -> memref<1x32x512xf32, #tpu.memory_space<vmem>>
        %dma_start3A_169 = tpu.memref_squeeze %dma_start3A_168 : memref<1x32x512xf32, #tpu.memory_space<vmem>> -> memref<32x512xf32, #tpu.memory_space<vmem>>
        %dma_start3A_170 = arith.constant 0 : i32
        %dma_start3A_171 = tpu.memref_slice %arg2[%add3A_164, %dma_start3A_170] : memref<4096x512xf32, #tpu.memory_space<hbm>> -> memref<32x512xf32, #tpu.memory_space<hbm>>
        %dma_start3A_172 = arith.constant 0 : i32
        %dma_start3A_173 = arith.constant 0 : i32
        %dma_start3A_174 = tpu.memref_slice %arg5[%dma_start3A_165, %dma_start3A_172, %dma_start3A_173] : memref<2x32x512xf32, #tpu.memory_space<vmem>> -> memref<1x32x512xf32, #tpu.memory_space<vmem>>
        %dma_start3A_175 = tpu.memref_squeeze %dma_start3A_174 : memref<1x32x512xf32, #tpu.memory_space<vmem>> -> memref<32x512xf32, #tpu.memory_space<vmem>>
        %dma_start3A_176 = arith.constant 0 : i32
        %dma_start3A_177 = tpu.memref_slice %arg2[%add3A_164, %dma_start3A_176] : memref<4096x512xf32, #tpu.memory_space<hbm>> -> memref<32x512xf32, #tpu.memory_space<hbm>>
        tpu.enqueue_dma source(%dma_start3A_177 : memref<32x512xf32, #tpu.memory_space<hbm>>) target(%dma_start3A_175 : memref<32x512xf32, #tpu.memory_space<vmem>>) target_semaphore(%arg9 : memref<!tpu.dma_semaphore, #tpu.memory_space<semaphore_mem>>)
        %dma_start3A_178 = arith.constant 1 : i32
        %dma_start3A_179 = arith.constant 0 : i32
        %dma_start3A_180 = arith.constant 0 : i32
        %dma_start3A_181 = tpu.memref_slice %arg6[%dma_start3A_178, %dma_start3A_179, %dma_start3A_180] : memref<2x32x512xf32, #tpu.memory_space<vmem>> -> memref<1x32x512xf32, #tpu.memory_space<vmem>>
        %dma_start3A_182 = tpu.memref_squeeze %dma_start3A_181 : memref<1x32x512xf32, #tpu.memory_space<vmem>> -> memref<32x512xf32, #tpu.memory_space<vmem>>
        %dma_start3A_183 = arith.constant 0 : i32
        %dma_start3A_184 = tpu.memref_slice %arg3[%add3A_164, %dma_start3A_183] : memref<4096x512xf32, #tpu.memory_space<hbm>> -> memref<32x512xf32, #tpu.memory_space<hbm>>
        %dma_start3A_185 = arith.constant 0 : i32
        %dma_start3A_186 = arith.constant 0 : i32
        %dma_start3A_187 = tpu.memref_slice %arg6[%dma_start3A_178, %dma_start3A_185, %dma_start3A_186] : memref<2x32x512xf32, #tpu.memory_space<vmem>> -> memref<1x32x512xf32, #tpu.memory_space<vmem>>
        %dma_start3A_188 = tpu.memref_squeeze %dma_start3A_187 : memref<1x32x512xf32, #tpu.memory_space<vmem>> -> memref<32x512xf32, #tpu.memory_space<vmem>>
        %dma_start3A_189 = arith.constant 0 : i32
        %dma_start3A_190 = tpu.memref_slice %arg3[%add3A_164, %dma_start3A_189] : memref<4096x512xf32, #tpu.memory_space<hbm>> -> memref<32x512xf32, #tpu.memory_space<hbm>>
        tpu.enqueue_dma source(%dma_start3A_190 : memref<32x512xf32, #tpu.memory_space<hbm>>) target(%dma_start3A_188 : memref<32x512xf32, #tpu.memory_space<vmem>>) target_semaphore(%arg11 : memref<!tpu.dma_semaphore, #tpu.memory_space<semaphore_mem>>)
      } else {
      }
      scf.yield %scan3A_153#0, %scan3A_153#1 : vector<16xf32>, vector<16xf32>
    }
    %scan3A_63 = arith.constant 2 : i32
    %swap3A = arith.constant 0 : index
    %swap3A_64 = tpu.vector_load %arg7[%swap3A] {strides = array<i32>} : memref<32xf32, #tpu.memory_space<vmem>>, vector<16xf32>,
    %swap3A_65 = vector.shape_cast %swap3A_64 : vector<16xf32> to vector<16xf32>
    %swap3A_66 = vector.shape_cast %scan3A_62#0 : vector<16xf32> to vector<16xf32>
    tpu.vector_store %arg7[%swap3A], %swap3A_66 {strides = array<i32>} : memref<32xf32, #tpu.memory_space<vmem>>, vector<16xf32>,
    %swap3A_67 = arith.constant 16 : index
    %swap3A_68 = tpu.vector_load %arg7[%swap3A_67] {strides = array<i32>} : memref<32xf32, #tpu.memory_space<vmem>>, vector<16xf32>,
    %swap3A_69 = vector.shape_cast %swap3A_68 : vector<16xf32> to vector<16xf32>
    %swap3A_70 = vector.shape_cast %scan3A_62#1 : vector<16xf32> to vector<16xf32>
    tpu.vector_store %arg7[%swap3A_67], %swap3A_70 {strides = array<i32>} : memref<32xf32, #tpu.memory_space<vmem>>, vector<16xf32>,
    "tpu.region"() ({
      %run_scoped3A = tpu.sem_alloc : memref<!tpu.dma_semaphore, #tpu.memory_space<semaphore_mem>>
      %dma_start3A_71 = arith.constant 0 : i32
      %dma_start3A_72 = tpu.memref_slice %arg4[%add3A, %dma_start3A_71] : memref<32x32xf32, #tpu.memory_space<hbm>> -> memref<1x32xf32, #tpu.memory_space<hbm>>
      %dma_start3A_73 = tpu.memref_squeeze %dma_start3A_72 : memref<1x32xf32, #tpu.memory_space<hbm>> -> memref<32xf32, #tpu.memory_space<hbm>>
      %dma_start3A_74 = arith.constant 0 : i32
      %dma_start3A_75 = tpu.memref_slice %arg4[%add3A, %dma_start3A_74] : memref<32x32xf32, #tpu.memory_space<hbm>> -> memref<1x32xf32, #tpu.memory_space<hbm>>
      %dma_start3A_76 = tpu.memref_squeeze %dma_start3A_75 : memref<1x32xf32, #tpu.memory_space<hbm>> -> memref<32xf32, #tpu.memory_space<hbm>>
      tpu.enqueue_dma source(%arg7 : memref<32xf32, #tpu.memory_space<vmem>>) target(%dma_start3A_76 : memref<32xf32, #tpu.memory_space<hbm>>) target_semaphore(%run_scoped3A : memref<!tpu.dma_semaphore, #tpu.memory_space<semaphore_mem>>)
      %dma_wait3A = arith.constant 0 : i32
      %dma_wait3A_77 = tpu.memref_slice %arg4[%add3A, %dma_wait3A] : memref<32x32xf32, #tpu.memory_space<hbm>> -> memref<1x32xf32, #tpu.memory_space<hbm>>
      %dma_wait3A_78 = tpu.memref_squeeze %dma_wait3A_77 : memref<1x32xf32, #tpu.memory_space<hbm>> -> memref<32xf32, #tpu.memory_space<hbm>>
      %dma_wait3A_79 = arith.constant 0 : i32
      %dma_wait3A_80 = tpu.memref_slice %arg4[%add3A, %dma_wait3A_79] : memref<32x32xf32, #tpu.memory_space<hbm>> -> memref<1x32xf32, #tpu.memory_space<hbm>>
      %dma_wait3A_81 = tpu.memref_squeeze %dma_wait3A_80 : memref<1x32xf32, #tpu.memory_space<hbm>> -> memref<32xf32, #tpu.memory_space<hbm>>
      tpu.wait_dma2 semaphore(%run_scoped3A : memref<!tpu.dma_semaphore, #tpu.memory_space<semaphore_mem>>) src(%arg7 : memref<32xf32, #tpu.memory_space<vmem>>) dst(%dma_wait3A_81 : memref<32xf32, #tpu.memory_space<hbm>>)
      tpu.yield
    }) : () -> ()
    return
  }
}

module attributes {stable_mosaic.version = 14 : i64} {
  func.func @_geo_kernel(%arg0: i32, %arg1: i32, %arg2: memref<1x256x512xf32, #tpu.memory_space<vmem>>, %arg3: memref<1x8x256x512xf32, #tpu.memory_space<vmem>>, %arg4: memref<1x8x256x512xf32, #tpu.memory_space<vmem>>, %arg5: memref<1x256x512xf32, #tpu.memory_space<vmem>>, %arg6: memref<1xf32, #tpu.memory_space<smem>>, %arg7: memref<3xf32, #tpu.memory_space<smem>>) attributes {dimension_semantics = [#tpu.dimension_semantics<arbitrary>, #tpu.dimension_semantics<arbitrary>], iteration_bounds = array<i64: 8, 2>, scalar_prefetch = 0 : i64, scratch_operands = 1 : i64, tpu.core_type = #tpu.core_type<tc>, window_params = [{transform_indices = @transform_0, window_bounds = array<i64: 1, 256, 512>}, {transform_indices = @transform_1, window_bounds = array<i64: 1, 8, 256, 512>}, {transform_indices = @transform_2, window_bounds = array<i64: 1, 8, 256, 512>}, {transform_indices = @transform_3, window_bounds = array<i64: 1, 256, 512>}, {transform_indices = @transform_4, window_bounds = array<i64: 1>}]} {
    %eq3A = arith.constant 0 : i32
    %eq3A_0 = arith.cmpi eq, %arg1, %eq3A : i32
    %convert_element_type3A = arith.extui %eq3A_0 : i1 to i32
    %cond3A = arith.constant 0 : i32
    %cond3A_1 = arith.cmpi ne, %convert_element_type3A, %cond3A : i32
    scf.if %cond3A_1 {
      %swap3A_69 = arith.constant 0.000000e+00 : f32
      %swap3A_70 = arith.constant 0 : index
      %swap3A_71 = memref.load %arg7[%swap3A_70] : memref<3xf32, #tpu.memory_space<smem>>
      memref.store %swap3A_69, %arg7[%swap3A_70] : memref<3xf32, #tpu.memory_space<smem>>
      %swap3A_72 = arith.constant 0.000000e+00 : f32
      %swap3A_73 = arith.constant 1 : index
      %swap3A_74 = memref.load %arg7[%swap3A_73] : memref<3xf32, #tpu.memory_space<smem>>
      memref.store %swap3A_72, %arg7[%swap3A_73] : memref<3xf32, #tpu.memory_space<smem>>
    } else {
    }
    %eq3A_2 = arith.constant 0 : i32
    %eq3A_3 = arith.cmpi eq, %arg0, %eq3A_2 : i32
    %eq3A_4 = arith.constant 0 : i32
    %eq3A_5 = arith.cmpi eq, %arg1, %eq3A_4 : i32
    %and3A = arith.andi %eq3A_3, %eq3A_5 : i1
    %convert_element_type3A_6 = arith.extui %and3A : i1 to i32
    %cond3A_7 = arith.constant 0 : i32
    %cond3A_8 = arith.cmpi ne, %convert_element_type3A_6, %cond3A_7 : i32
    scf.if %cond3A_8 {
      %swap3A_69 = arith.constant 0.000000e+00 : f32
      %swap3A_70 = arith.constant 2 : index
      %swap3A_71 = memref.load %arg7[%swap3A_70] : memref<3xf32, #tpu.memory_space<smem>>
      memref.store %swap3A_69, %arg7[%swap3A_70] : memref<3xf32, #tpu.memory_space<smem>>
    } else {
    }
    %get3A = arith.constant 0 : index
    %get3A_9 = arith.constant 0 : index
    %get3A_10 = arith.constant 0 : index
    %get3A_11 = vector.load %arg2[%get3A, %get3A_9, %get3A_10] : memref<1x256x512xf32, #tpu.memory_space<vmem>>, vector<1x256x512xf32>
    %get3A_12 = vector.shape_cast %get3A_11 : vector<1x256x512xf32> to vector<256x512xf32>
    %get3A_13 = arith.constant 0 : index
    %get3A_14 = arith.constant 0 : index
    %get3A_15 = arith.constant 0 : index
    %get3A_16 = vector.load %arg5[%get3A_13, %get3A_14, %get3A_15] : memref<1x256x512xf32, #tpu.memory_space<vmem>>, vector<1x256x512xf32>
    %get3A_17 = vector.shape_cast %get3A_16 : vector<1x256x512xf32> to vector<256x512xf32>
    %get3A_18 = arith.constant 0 : index
    %get3A_19 = arith.constant 0 : index
    %get3A_20 = arith.constant 0 : index
    %get3A_21 = arith.constant 0 : index
    %get3A_22 = vector.load %arg3[%get3A_18, %get3A_19, %get3A_20, %get3A_21] : memref<1x8x256x512xf32, #tpu.memory_space<vmem>>, vector<1x8x256x512xf32>
    %get3A_23 = vector.shape_cast %get3A_22 : vector<1x8x256x512xf32> to vector<8x256x512xf32>
    %get3A_24 = arith.constant 0 : index
    %get3A_25 = arith.constant 0 : index
    %get3A_26 = arith.constant 0 : index
    %get3A_27 = arith.constant 0 : index
    %get3A_28 = vector.load %arg4[%get3A_24, %get3A_25, %get3A_26, %get3A_27] : memref<1x8x256x512xf32, #tpu.memory_space<vmem>>, vector<1x8x256x512xf32>
    %get3A_29 = vector.shape_cast %get3A_28 : vector<1x8x256x512xf32> to vector<8x256x512xf32>
    %sub3A = arith.subf %get3A_23, %get3A_29 : vector<8x256x512xf32>
    %jit3A = arith.constant -1.000000e+00 : f32
    %jit3A_30 = arith.constant 1.000000e+00 : f32
    %max3A = vector.broadcast %jit3A : f32 to vector<8x256x512xf32>
    %max3A_31 = arith.maximumf %max3A, %sub3A : vector<8x256x512xf32>
    %min3A = vector.broadcast %jit3A_30 : f32 to vector<8x256x512xf32>
    %min3A_32 = arith.minimumf %min3A, %max3A_31 : vector<8x256x512xf32>
    %mul3A = arith.constant 5.000000e-01 : f32
    %mul3A_33 = vector.broadcast %mul3A : f32 to vector<8x256x512xf32>
    %mul3A_34 = arith.mulf %mul3A_33, %min3A_32 : vector<8x256x512xf32>
    %sub3A_35 = arith.subf %sub3A, %mul3A_34 : vector<8x256x512xf32>
    %mul3A_36 = arith.mulf %min3A_32, %sub3A_35 : vector<8x256x512xf32>
    %reduce_sum3A = arith.constant dense<0.000000e+00> : vector<256x512xf32>
    %reduce_sum3A_37 = vector.multi_reduction <add>, %mul3A_36, %reduce_sum3A [0] : vector<8x256x512xf32> to vector<256x512xf32>
    %ne3A = arith.constant 0.000000e+00 : f32
    %ne3A_38 = vector.broadcast %ne3A : f32 to vector<256x512xf32>
    %ne3A_39 = arith.cmpf one, %get3A_12, %ne3A_38 : vector<256x512xf32>
    %convert_element_type3A_40 = arith.extui %ne3A_39 : vector<256x512xi1> to vector<256x512xi32>
    %convert_element_type3A_41 = arith.sitofp %convert_element_type3A_40 : vector<256x512xi32> to vector<256x512xf32>
    %div3A = arith.constant 1.250000e-01 : f32
    %div3A_42 = vector.broadcast %div3A : f32 to vector<256x512xf32>
    %div3A_43 = arith.divf %div3A_42, %get3A_17 : vector<256x512xf32>
    %mul3A_44 = arith.mulf %convert_element_type3A_41, %div3A_43 : vector<256x512xf32>
    %get3A_45 = arith.constant 0 : index
    %get3A_46 = memref.load %arg7[%get3A_45] : memref<3xf32, #tpu.memory_space<smem>>
    %reduce_sum3A_47 = vector.shape_cast %convert_element_type3A_41 : vector<256x512xf32> to vector<1x256x512xf32>
    %reduce_sum3A_48 = arith.constant dense<0.000000e+00> : vector<1xf32>
    %reduce_sum3A_49 = vector.multi_reduction <add>, %reduce_sum3A_47, %reduce_sum3A_48 [1, 2] : vector<1x256x512xf32> to vector<1xf32>
    %reduce_sum3A_50 = vector.shape_cast %reduce_sum3A_49 : vector<1xf32> to vector<1x1x1xf32>
    %reduce_sum3A_51 = vector.extract %reduce_sum3A_50[0, 0, 0] : f32 from vector<1x1x1xf32>
    %add3A = arith.addf %get3A_46, %reduce_sum3A_51 : f32
    %swap3A = arith.constant 0 : index
    %swap3A_52 = memref.load %arg7[%swap3A] : memref<3xf32, #tpu.memory_space<smem>>
    memref.store %add3A, %arg7[%swap3A] : memref<3xf32, #tpu.memory_space<smem>>
    %get3A_53 = arith.constant 1 : index
    %get3A_54 = memref.load %arg7[%get3A_53] : memref<3xf32, #tpu.memory_space<smem>>
    %mul3A_55 = arith.mulf %reduce_sum3A_37, %mul3A_44 : vector<256x512xf32>
    %reduce_sum3A_56 = vector.shape_cast %mul3A_55 : vector<256x512xf32> to vector<1x256x512xf32>
    %reduce_sum3A_57 = arith.constant dense<0.000000e+00> : vector<1xf32>
    %reduce_sum3A_58 = vector.multi_reduction <add>, %reduce_sum3A_56, %reduce_sum3A_57 [1, 2] : vector<1x256x512xf32> to vector<1xf32>
    %reduce_sum3A_59 = vector.shape_cast %reduce_sum3A_58 : vector<1xf32> to vector<1x1x1xf32>
    %reduce_sum3A_60 = vector.extract %reduce_sum3A_59[0, 0, 0] : f32 from vector<1x1x1xf32>
    %add3A_61 = arith.addf %get3A_54, %reduce_sum3A_60 : f32
    %swap3A_62 = arith.constant 1 : index
    %swap3A_63 = memref.load %arg7[%swap3A_62] : memref<3xf32, #tpu.memory_space<smem>>
    memref.store %add3A_61, %arg7[%swap3A_62] : memref<3xf32, #tpu.memory_space<smem>>
    %eq3A_64 = arith.constant 1 : i32
    %eq3A_65 = arith.cmpi eq, %arg1, %eq3A_64 : i32
    %convert_element_type3A_66 = arith.extui %eq3A_65 : i1 to i32
    %cond3A_67 = arith.constant 0 : i32
    %cond3A_68 = arith.cmpi ne, %convert_element_type3A_66, %cond3A_67 : i32
    scf.if %cond3A_68 {
      %get3A_69 = arith.constant 2 : index
      %get3A_70 = memref.load %arg7[%get3A_69] : memref<3xf32, #tpu.memory_space<smem>>
      %get3A_71 = arith.constant 1 : index
      %get3A_72 = memref.load %arg7[%get3A_71] : memref<3xf32, #tpu.memory_space<smem>>
      %get3A_73 = arith.constant 0 : index
      %get3A_74 = memref.load %arg7[%get3A_73] : memref<3xf32, #tpu.memory_space<smem>>
      %max3A_75 = arith.constant 1.000000e+00 : f32
      %max3A_76 = arith.maximumf %get3A_74, %max3A_75 : f32
      %div3A_77 = arith.divf %get3A_72, %max3A_76 : f32
      %add3A_78 = arith.addf %get3A_70, %div3A_77 : f32
      %swap3A_79 = arith.constant 2 : index
      %swap3A_80 = memref.load %arg7[%swap3A_79] : memref<3xf32, #tpu.memory_space<smem>>
      memref.store %add3A_78, %arg7[%swap3A_79] : memref<3xf32, #tpu.memory_space<smem>>
      %eq3A_81 = arith.constant 7 : i32
      %eq3A_82 = arith.cmpi eq, %arg0, %eq3A_81 : i32
      %convert_element_type3A_83 = arith.extui %eq3A_82 : i1 to i32
      %cond3A_84 = arith.constant 0 : i32
      %cond3A_85 = arith.cmpi ne, %convert_element_type3A_83, %cond3A_84 : i32
      scf.if %cond3A_85 {
        %get3A_86 = arith.constant 2 : index
        %get3A_87 = memref.load %arg7[%get3A_86] : memref<3xf32, #tpu.memory_space<smem>>
        %div3A_88 = arith.constant 8.000000e+00 : f32
        %div3A_89 = arith.divf %get3A_87, %div3A_88 : f32
        %swap3A_90 = arith.constant 0 : index
        %swap3A_91 = memref.load %arg6[%swap3A_90] : memref<1xf32, #tpu.memory_space<smem>>
        memref.store %div3A_89, %arg6[%swap3A_90] : memref<1xf32, #tpu.memory_space<smem>>
      } else {
      }
    } else {
    }
    return
  }
  func.func @transform_0(%arg0: i32, %arg1: i32) -> (i32, i32, i32) {
    %c0_i32 = arith.constant 0 : i32
    %c0_i32_0 = arith.constant 0 : i32
    return %arg0, %arg1, %c0_i32 : i32, i32, i32
  }
  func.func @transform_1(%arg0: i32, %arg1: i32) -> (i32, i32, i32, i32) {
    %c0_i32 = arith.constant 0 : i32
    %c0_i32_0 = arith.constant 0 : i32
    %c0_i32_1 = arith.constant 0 : i32
    return %arg0, %c0_i32, %arg1, %c0_i32_0 : i32, i32, i32, i32
  }
  func.func @transform_2(%arg0: i32, %arg1: i32) -> (i32, i32, i32, i32) {
    %c0_i32 = arith.constant 0 : i32
    %c0_i32_0 = arith.constant 0 : i32
    %c0_i32_1 = arith.constant 0 : i32
    return %arg0, %c0_i32, %arg1, %c0_i32_0 : i32, i32, i32, i32
  }
  func.func @transform_3(%arg0: i32, %arg1: i32) -> (i32, i32, i32) {
    %c0_i32 = arith.constant 0 : i32
    %c0_i32_0 = arith.constant 0 : i32
    return %arg0, %arg1, %c0_i32 : i32, i32, i32
  }
  func.func @transform_4(%arg0: i32, %arg1: i32) -> i32 {
    %c0_i32 = arith.constant 0 : i32
    %c0_i32_0 = arith.constant 0 : i32
    return %c0_i32 : i32
  }
}

</mosaic_0001>

<sc_bundles>
// kernel: kernel.4.cloned.1.call-start
scs
__scs_entry_jumppad:
0x0: {  	(pc) =	sbr.rel $0x88, $3  }
0x1: {  	(tag) =	ssettag $0x0;
	lr =	simm.s32 $0x1  }
0x2: {  	[smem:$0x3F9C] =	sst lr;
	_ =	strace $0xD0000000  }
0x3: {  	_ = 	snop  }
0x4: {  	_ = 	snop  }
0x5: {  	_ = 	snop  }
0x6: {  	_ = 	snop  }
0x7: {  	_ = 	snop  }
__scs_overlays_trampoline_lowered:
0x8: {  	[smem:$0x3FAB] =	sst s0  }
0x9: {  	[smem:$0x3FAC] =	sst s1  }
0xa: {  	[smem:$0x3FAD] =	sst s2  }
0xb: {  	[smem:$0x3FAE] =	sst s3  }
0xc: {  	[smem:$0x3FAF] =	sst s4  }
0xd: {  	[smem:$0x3FB0] =	sst s5  }
0xe: {  	[smem:$0x3FB1] =	sst s6  }
0xf: {  	[smem:$0x3FB2] =	sst s7  }
0x10: {  	[smem:$0x3FB3] =	sst s8  }
0x11: {  	[smem:$0x3FB4] =	sst s9;
	s0 =	simm.s32 @!p0 $0x0  }
0x12: {  	s1 =	sld [smem:$0x3F9A];
	s0 =	simm.s32 @p0 $0x1  }
0x13: {  	[smem:$0x3FB5] =	sst s0;
	s0 =	simm.s32 @!p1 $0x0  }
0x14: {  	s2 =	sld [smem:$0x3F99];
	s0 =	simm.s32 @p1 $0x1  }
0x15: {  	[smem:$0x3FB6] =	sst s0;
	s0 =	simm.s32 @!p2 $0x0  }
0x16: {  	s3 =	sld [smem:$0x3FDB];
	s0 =	simm.s32 @p2 $0x1  }
0x17: {  	s4 =	simm.s32 $0x1BF5;
	[smem:$0x3FB8] =	sst s0  }
0x18: {  	s0 =	sld [smem:$0x3F9B];
	_ =	swait.ge [sflag:s4], $0x0  }
0x19: {  	s7 =	sld [smem:$0x3F9C]  }
0x1a: {  	s8 =	sadd.s32 $0xFFFFE003, lr  }
0x1b: {  	s9 =	sadd.s32 $0xFFFFFEF7, lr;
	s5 =	simm.s32 $0xFFFFFFFF;
	p2 =	slt.u32 s8, $0xFFFFF086  }
0x1c: {  	p1 =	slt.u32 s9, $0xF7A;
	s5 =	simm.s32 @!p2 $0x0  }
0x1d: {  	s5 =	simm.s32 @p1 $0x1;
	p0 =	seq.s32 s7, s2  }
0x1e: {  	s7 =	smul.u32 @!p0 $0xF7A, s2;
	p2 =	seq.s32 @!p0 s5, $0x0  }
0x1f: {  	s9 =	smul.u32 $0xF7A, s1;
	s8 =	simm.s32 @!p0 $0x1BF5;
	p2 =	por !p2, p0  }
0x20: {  	[sflag:s8] =	ssyncset.s32 @!p0 $0xFFFFF086;
	s6 =	sadd.s32 @!p0 s3, s7;
	s7 =	simm.s32 @!p0 $0x108  }
0x21: {  	s3 =	sadd.s32 s3, s9;
	s6 =	sadd.s32 @!p0 $0x88, s6;
	s7 =	simm.s32 @p2 $0x1082  }
0x22: {  	[simem:s7], [sflag:s8] =	dma.local @!p0 [hbm:s6], $0xF7A  }
0x23: {  	s9 =	sor.u32 $0xD0000000, s2;
	s6 =	simm.s32 $0x108;
	_ =	swait.ge @!p0 [sflag:s8], $0x0  }
0x24: {  	s3 =	sadd.s32 $0x88, s3;
	s6 =	simm.s32 @!p1 $0x1082;
	[sflag:s4] =	ssyncset.s32 $0xFFFFF086  }
0x25: {  	[simem:s6], [sflag:s4] =	dma.local [hbm:s3], $0xF7A  }
0x26: {  	[smem:$0x3F9C] =	sst s1;
	(tag) =	ssettag s2;
	_ =	strace s9  }
0x27: {  	s1 =	sld [smem:$0x3FAC]  }
0x28: {  	s2 =	sld [smem:$0x3FAD]  }
0x29: {  	s4 =	sld [smem:$0x3FAF]  }
0x2a: {  	p0 =	seq.s32 s5, $0x0;
	s5 =	sld [smem:$0x3FB0]  }
0x2b: {  	s6 =	sld [smem:$0x3FB1]  }
0x2c: {  	s7 =	sld [smem:$0x3FB2]  }
0x2d: {  	s3 =	simm.s32 $0x108;
	s8 =	sld [smem:$0x3FB3]  }
0x2e: {  	s3 =	simm.s32 @!p0 $0x1082;
	s9 =	sld [smem:$0x3FB4]  }
0x2f: {  	lr =	sadd.s32 s0, s3;
	s0 =	sld [smem:$0x3FAB]  }
0x30: {  	s3 =	sld [smem:$0x3FAE]  }
0x31: {  	[smem:$0x3FB7] =	sst s10  }
0x32: {  	s10 =	sld [smem:$0x3FB5];
	_ =	sdelay $0x3  }
0x33: {  	p0 =	seq.s32 s10, $0x1;
	s10 =	sld [smem:$0x3FB7];
	_ =	sdelay $0x3  }
0x34: {  	[smem:$0x3FB7] =	sst s10  }
0x35: {  	s10 =	sld [smem:$0x3FB6];
	_ =	sdelay $0x3  }
0x36: {  	p1 =	seq.s32 s10, $0x1;
	s10 =	sld [smem:$0x3FB7];
	_ =	sdelay $0x3  }
0x37: {  	[smem:$0x3FB7] =	sst s10  }
0x38: {  	s10 =	sld [smem:$0x3FB8]  }
0x39: {  	_ = 	snop;
	(pc) =	sbr.ind lr, $3  }
0x3a: {  	_ = 	snop  }
0x3b: {  	_ = 	snop  }
0x3c: {  	p2 =	seq.s32 s10, $0x1;
	s10 =	sld [smem:$0x3FB7]  }
0x3d: {  	_ =	shalt  }
0x3e: {  	_ =	shalt  }
0x3f: {  	_ =	shalt  }
0x40: {  	_ =	shalt  }
0x41: {  	_ =	shalt  }
0x42: {  	_ =	shalt  }
0x43: {  	_ =	shalt  }
0x44: {  	_ =	shalt  }
0x45: {  	_ =	shalt  }
0x46: {  	_ =	shalt  }
0x47: {  	_ =	shalt  }
0x48: {  	_ =	shalt  }
0x49: {  	_ =	shalt  }
0x4a: {  	_ =	shalt  }
0x4b: {  	_ =	shalt  }
0x4c: {  	_ =	shalt  }
0x4d: {  	_ =	shalt  }
0x4e: {  	_ =	shalt  }
0x4f: {  	_ =	shalt  }
0x50: {  	_ =	shalt  }
0x51: {  	_ =	shalt  }
0x52: {  	_ =	shalt  }
0x53: {  	_ =	shalt  }
0x54: {  	_ =	shalt  }
0x55: {  	_ =	shalt  }
0x56: {  	_ =	shalt  }
0x57: {  	_ =	shalt  }
0x58: {  	_ =	shalt  }
0x59: {  	_ =	shalt  }
0x5a: {  	_ =	shalt  }
0x5b: {  	_ =	shalt  }
0x5c: {  	_ =	shalt  }
0x5d: {  	_ =	shalt  }
0x5e: {  	_ =	shalt  }
0x5f: {  	_ =	shalt  }
0x60: {  	_ =	shalt  }
0x61: {  	_ =	shalt  }
0x62: {  	_ =	shalt  }
0x63: {  	_ =	shalt  }
0x64: {  	_ =	shalt  }
0x65: {  	_ =	shalt  }
0x66: {  	_ =	shalt  }
0x67: {  	_ =	shalt  }
0x68: {  	_ =	shalt  }
0x69: {  	_ =	shalt  }
0x6a: {  	_ =	shalt  }
0x6b: {  	_ =	shalt  }
0x6c: {  	_ =	shalt  }
0x6d: {  	_ =	shalt  }
0x6e: {  	_ =	shalt  }
0x6f: {  	_ =	shalt  }
0x70: {  	_ =	shalt  }
0x71: {  	_ =	shalt  }
0x72: {  	_ =	shalt  }
0x73: {  	_ =	shalt  }
0x74: {  	_ =	shalt  }
0x75: {  	_ =	shalt  }
0x76: {  	_ =	shalt  }
0x77: {  	_ =	shalt  }
0x78: {  	_ =	shalt  }
0x79: {  	_ =	shalt  }
0x7a: {  	_ =	shalt  }
0x7b: {  	_ =	shalt  }
0x7c: {  	_ =	shalt  }
0x7d: {  	_ =	shalt  }
0x7e: {  	_ =	shalt  }
0x7f: {  	_ =	shalt  }
0x80: {  	_ =	shalt  }
0x81: {  	_ =	shalt  }
0x82: {  	_ =	shalt  }
0x83: {  	_ =	shalt  }
0x84: {  	_ =	shalt  }
0x85: {  	_ =	shalt  }
0x86: {  	_ =	shalt  }
0x87: {  	_ =	shalt  }
.Lfunc_end0:
.L_simem_size_0:
called_computation_lowered:
.L_overlay_start_0:
0x88: {  	s2 =	sld [smem:$0x3FD9]  }
0x89: {  	s3 =	sld [smem:$0x3FFE];
	_ =	sdelay $0x1  }
0x8a: {  	s1 =	srdreg.scid  }
0x8b: {  	s0 =	sand.u32 $0x1, s1  }
0x8c: {  	s17 =	sshll.u32 s0, $0xA;
	s2 =	sadd.s32 s3, s2  }
0x8d: {  	s2 =	sadd.s32 s2, s17  }
0x8e: {  	[smem:$0x3FC3] =	sst s2  }
0x8f: {  	_ = 	snop  }
0x90: {  	s2 =	sld [smem:$0x3FC9]  }
0x91: {  	s18 =	sld [smem:$0x3FC8];
	(tm) =	ssettm $0x1  }
0x92: {  	s4 =	sld [smem:$0x3FFB];
	_ =	sdelay $0x3  }
0x93: {  	_ =	strace s4  }
0x94: {  	s4 =	sld [smem:$0x3FFC];
	_ =	sdelay $0x3  }
0x95: {  	_ =	strace s4  }
0x96: {  	s4 =	sld [smem:$0x3FFD];
	_ =	sdelay $0x3  }
0x97: {  	_ =	strace s4  }
0x98: {  	_ =	strace $0x8FFFFFFF  }
0x99: {  	s19 =	sld [smem:$0x3FDB];
	_ =	sdelay $0x1  }
0x9a: {  	s5 =	simm.s32 $_scs_section_size  }
0x9b: {  	s6 =	simm.s32 $_size__tile_overlayer_lowered;
	s7 =	simm.s32 $_tile_overlayer_lowered  }
0x9c: {  	s22 =	simm.s32 $0x1BFF;
	s21 =	sshll.u32 s7, $0x1;
	s4 =	sadd.s32 s5, s19  }
0x9d: {  	s8 =	simm.s32 $0x0;
	s20 =	sshll.u32 s6, $0x1;
	s6 =	sadd.s32 s21, s4  }
0x9e: {  	[timem:s8], [sflag:s22] =	dma.local [hbm:s6], s20  }
0x9f: {  	_ =	swait.ge [sflag:s22], s20  }
0xa0: {  	s5 =	ssub.s32 $0x0, s20;
	[sflag:s22] =	ssyncset.done $0x0  }
0xa1: {  	[sflag:s22] =	ssyncadd.s32 s5;
	_ =	sdelay $0x1  }
0xa2: {  	s23 =	simm.s32 $0x1B8B  }
0xa3: {  	_ =	swait.ge [sflag:s23], $0x1  }
0xa4: {  	[sflag:s23] =	ssyncset.done $0x0  }
0xa5: {  	s25 =	simm.s32 $0x1B8E;
	s24 =	sld [smem:$0x3FFE];
	[sflag:s23] =	ssyncadd.s32 $0xFFFFFFFF  }
0xa6: {  	s26 =	simm.s32 $execute0_lowered;
	[smem:$0x3FD2] =	sst s25  }
0xa7: {  	s6 =	sshll.u32 s26, $0x1;
	_ =	strace $0x80000046;
	[dreg:$0x1] =	wrdreg $0xFFFFFFFF  }
0xa8: {  	s28 =	simm.s32 $_size_execute0_lowered;
	s4 =	sadd.s32 s4, s6;
	[dreg:$0x0] =	wrdreg $0x0  }
0xa9: {  	s6 =	sshll.u32 s28, $0x1;
	[dreg:$0x2] =	wrdreg s4  }
0xaa: {  	[dreg:$0x3] =	wrdreg s6  }
0xab: {  	[dreg:$0x4] =	wrdreg $0xC0  }
0xac: {  	_ =	task [dreg:s8], $0x5FFFF  }
0xad: {  	[dreg:$0x1] =	wrdreg $0xFFFFFFFF  }
0xae: {  	[dreg:$0x0] =	wrdreg $0x60  }
0xaf: {  	[dreg:$0x2] =	wrdreg s2  }
0xb0: {  	[dreg:$0x3] =	wrdreg s18  }
0xb1: {  	[dreg:$0x4] =	wrdreg s24  }
0xb2: {  	[dreg:$0x5] =	wrdreg $0x9  }
0xb3: {  	_ =	task.clear_ibuf [dreg:s8], $0x6FFFF;
	_ =	strace $0x90000046  }
0xb4: {  	s29 =	simm.s32 $0x9;
	_ =	strace $0x80000048  }
0xb5: {  	_ =	swait.ge [sflag:s29], $0x1  }
0xb6: {  	[sflag:s29] =	ssyncadd.s32 $0xFFFFFFFF  }
0xb7: {  	_ =	strace $0x90000048  }
0xb8: {  	_ =	sfence  }
0xb9: {  	s30 =	sld [smem:$0x0];
	_ =	sdelay $0x2  }
0xba: {  	s31 =	sshll.u32 s1, $0xD;
	s1 =	sshrl.u32 s1, $0x2  }
0xbb: {  	s3 =	sand.u32 $0x4000, s31;
	s1 =	sadd.s32 s1, s30  }
0xbc: {  	s0 =	sor.u32 s3, s0;
	s1 =	sshll.u32 s1, $0x11  }
0xbd: {  	s0 =	sor.u32 s1, s0  }
0xbe: {  	s0 =	sadd.s32 $0x8F2B, s0  }
0xbf: {  	[sflag:s0] =	ssyncadd.remote.s32 $0x1  }
0xc0: {  	_ =	sfence.sel $0xFFFF  }
0xc1: {  	[dreg:$0x0] =	wrdreg $0xFFFFFFFF;
	(pc) =	sbr.abs _section_cstart, $3  }
0xc2: {  	[dreg:$0x1] =	wrdreg $0xFFFFFFFF  }
0xc3: {  	_ =	task.clear_ibuf [dreg:s8], $0x2FFFF;
	_ =	strace $0x9FFFFFFF  }
0xc4: {  	(tm) =	ssettm $0x7FFFFFFF  }
0xc5: {  	_ =	shalt  }
tec
execute0_lowered:
.L_overlay_start_1:
0x0: {  	(tag) =	ssettag $0x1  }
0x1: {  	s9 =	rddreg [dreg:$0x0]  }
0x2: {  	s10 =	rddreg [dreg:$0x1]  }
0x3: {  	s11 =	rddreg [dreg:$0x2];
	s2 =	srdreg.scid  }
0x4: {  	s1 =	stileid.u32;
	s15 =	simm.s32 $0xC000;
	s16 =	simm.s32 $0x1  }
0x5: {  	s17 =	simm.s32 $0x3;
	s18 =	simm.s32 $0x2;
	s19 =	simm.s32 $0x4  }
0x6: {  	s20 =	simm.s32 $0x10000;
	s21 =	simm.s32 $0x5;
	s22 =	simm.s32 $0x0  }
0x7: {  	s3 =	sand.u32 $0x1, s2;
	s2 =	simm.s32 $0x0;
	s5 =	sshll.u32 s1, $0x1  }
0x8: {  	s4 =	ssub.s32 $0x2, s3;
	[smem:$0x7FF] =	sst s2;
	s12 =	sor.u32 s3, s5  }
0x9: {  	s6 =	sshrl.u32 s4, $0x1;
	_ =	strace $0x80000047;
	s14 =	sshll.u32 s12, $0xD  }
0xa: {  	s12 =	sshll.u32 s12, $0x4;
	s13 =	ssub.s32 s4, s6;
	s3 =	sadd.s32 s9, s14  }
.Ltmp0:
0xb: {  	s4 =	sadd.s32 s10, s14;
	s31 =	sor.u32 $0x800, s14;
	(pc) =	sbr.rel .LBB2_1-.Ltmp0, $4  }
0xc: {  	s8 =	sor.u32 $0x1000, s14;
	s14 =	sor.u32 $0x1800, s14;
	s11 =	sadd.s32 s11, s12  }
0xd: {  	s5 =	sadd.s32 s9, s31;
	s6 =	sadd.s32 s10, s31;
	s7 =	sadd.s32 s9, s8  }
0xe: {  	s8 =	sadd.s32 s10, s8;
	s9 =	sadd.s32 s9, s14;
	s10 =	sadd.s32 s10, s14  }
0xf: {  	s12 =	smax.u32 s13, $0x1;
	s13 =	simm.s32 $0x8000;
	s14 =	simm.s32 $0x4000  }
.LBB2_12:
0x10: {  	s22 =	sadd.s32 $0x1, s22  }
0x11: {  	[tilespmem:$0x10000] =	vst v1;
	p0 =	sne.s32 s22, s12  }
.Ltmp1:
0x12: {  	[tilespmem:$0x10010] =	vst v0;
	(pc) =	sbr.rel @!p0 .LBB2_13-.Ltmp1, $4  }
0x13: {  	[hbm4b:s11+s2] =	stream.linear.scatter [tilespmem:s20], [sflag:$0x5], $0x80, $0x38;
	[tilespmem:$0x10080] =	vst v63  }
0x14: {  	_ =	swait.ge [sflag:s21], $0x80  }
0x15: {  	[sflag:s21] =	ssyncset.done $0x0  }
0x16: {  	[sflag:s21] =	ssyncadd.s32 $0xFFFFFF80  }
.LBB2_1:
0x17: {  	[tilespmem:s2], [sflag:$0x1] =	stream.linear.gather [hbm4b:s3+s2], $0x4000, $0x38;
	[tilespmem:$0x10080] =	vst v63  }
0x18: {  	_ = 	snop  }
0x19: {  	[tilespmem:s13], [sflag:$0x3] =	stream.linear.gather [hbm4b:s4+s2], $0x4000, $0x38;
	[tilespmem:$0x10080] =	vst v63  }
0x1a: {  	p0 =	por $0x1, $0x1;
	s24 =	smov.u32 s6  }
0x1b: {  	v0 =	vimm.f32 $0.0e+00;
	v1 =	vimm.f32 $0.0e+00;
	[tilespmem:s14], [sflag:$0x2] =	stream.linear.gather [hbm4b:s5+s2], $0x4000, $0x38;
	[tilespmem:$0x10080] =	vst v63  }
.LBB2_2:
0x1c: {  	s23 =	simm.s32 $0x0  }
0x1d: {  	[tilespmem:s15], [sflag:$0x4] =	stream.linear.gather [hbm4b:s24+s23], $0x4000, $0x38;
	[tilespmem:$0x10080] =	vst v63  }
0x1e: {  	_ =	swait.ge [sflag:s16], $0x4000  }
0x1f: {  	[sflag:s16] =	ssyncset.done $0x0  }
0x20: {  	[sflag:s16] =	ssyncadd.s32 $0xFFFFC000  }
0x21: {  	_ =	swait.ge [sflag:s17], $0x4000  }
0x22: {  	[sflag:s17] =	ssyncset.done $0x0  }
0x23: {  	s24 =	simm.s32 $0x0;
	[sflag:s17] =	ssyncadd.s32 $0xFFFFC000  }
.LBB2_3:
0x24: {  	s25 =	sshll.u32 s24, $0x9;
	s26 =	sshll.u32 s24, $0x7  }
0x25: {  	s25 =	sand.u32 $0x3000, s25;
	s26 =	sand.u32 $0x380, s26  }
0x26: {  	s31 =	sand.u32 $0x40, s23;
	s26 =	sor.u32 s25, s26  }
0x27: {  	s28 =	sand.u32 $0xC00, s23;
	s25 =	sor.u32 s31, s26  }
0x28: {  	s25 =	sor.u32 s28, s25  }
0x29: {  	v7 =	vld [tilespmem:s25+$0x0]  }
0x2a: {  	v9 =	vld [tilespmem:s25+$0x8000];
	s28 =	sor.u32 $0x10, s25  }
0x2b: {  	v3 =	vld [tilespmem:s28+$0x0];
	s28 =	sor.u32 $0x8010, s25  }
0x2c: {  	v6 =	vld [tilespmem:s28+$0x0];
	s28 =	sor.u32 $0x20, s25  }
0x2d: {  	s29 =	simm.s32 $0x40;
	v2 =	vld [tilespmem:s28+$0x0];
	s28 =	sor.u32 $0x8020, s25  }
0x2e: {  	s29 =	sand.u32 $0x40, s29;
	s30 =	sor.u32 $0x30, s25;
	v5 =	vld [tilespmem:s28+$0x0];
	s28 =	simm.s32 $0x200  }
0x2f: {  	s29 =	sor.u32 s29, s26;
	s0 =	sor.u32 $0x8030, s25;
	v4 =	vld [tilespmem:s30+$0x0];
	s31 =	sand.u32 $0xC00, s28  }
0x30: {  	v8 =	vadd.f32 v9, v7;
	v9 =	vmul.f32 v9, v7;
	v7 =	vld [tilespmem:s0+$0x0];
	s25 =	sor.u32 s31, s29;
	s29 =	simm.s32 $0x80  }
.LBB2_4:
0x31: {  	p1 =	sne.s32 s29, $0x1C0;
	v10 =	vld [tilespmem:s25+$0x0];
	v11 =	vadd.f32 v6, v3  }
0x32: {  	s30 =	sor.u32 $0x10, s25;
	v12 =	vld [tilespmem:s25+$0x8000];
	v1 =	vadd.f32 v9, v1;
	v0 =	vadd.f32 v8, v0;
	v8 =	vmul.f32 v6, v3  }
0x33: {  	v3 =	vld [tilespmem:s30+$0x0];
	s30 =	sor.u32 $0x8010, s25;
	v9 =	vadd.f32 v5, v2  }
.Ltmp2:
0x34: {  	v6 =	vld [tilespmem:s30+$0x0];
	s30 =	sor.u32 $0x20, s25;
	v1 =	vadd.f32 v8, v1;
	v0 =	vadd.f32 v11, v0;
	v8 =	vmul.f32 v5, v2;
	(pc) =	sbr.rel @p1 .LBB2_4-.Ltmp2, $4  }
0x35: {  	v2 =	vld [tilespmem:s30+$0x0];
	s30 =	sor.u32 $0x8020, s25;
	v11 =	vadd.f32 v7, v4  }
0x36: {  	s31 =	sand.u32 $0x40, s29;
	s28 =	sadd.s32 $0x200, s28;
	v13 =	vmul.f32 v7, v4;
	v5 =	vld [tilespmem:s30+$0x0];
	s30 =	sor.u32 $0x30, s25;
	v1 =	vadd.f32 v8, v1;
	v0 =	vadd.f32 v9, v0  }
0x37: {  	s0 =	sand.u32 $0xC00, s28;
	s31 =	sor.u32 s31, s26;
	v8 =	vadd.f32 v12, v10;
	v4 =	vld [tilespmem:s30+$0x0];
	s30 =	sor.u32 $0x8030, s25  }
0x38: {  	s29 =	sadd.s32 $0x40, s29;
	s25 =	sor.u32 s0, s31;
	v9 =	vmul.f32 v12, v10;
	v7 =	vld [tilespmem:s30+$0x0];
	v1 =	vadd.f32 v13, v1;
	v0 =	vadd.f32 v11, v0  }
0x39: {  	v10 =	vld [tilespmem:s25+$0x0];
	v11 =	vadd.f32 v6, v3  }
0x3a: {  	v12 =	vld [tilespmem:s25+$0x8000];
	s0 =	sor.u32 $0x10, s25;
	v3 =	vmul.f32 v6, v3;
	v1 =	vadd.f32 v9, v1;
	v0 =	vadd.f32 v8, v0  }
0x3b: {  	s26 =	sor.u32 $0x8010, s25;
	v53 =	vld [tilespmem:s0+$0x0];
	v54 =	vadd.f32 v5, v2  }
0x3c: {  	s29 =	sor.u32 $0x8020, s25;
	v55 =	vld [tilespmem:s26+$0x0];
	v2 =	vmul.f32 v5, v2;
	v1 =	vadd.f32 v3, v1;
	v0 =	vadd.f32 v11, v0  }
0x3d: {  	s28 =	sor.u32 $0x20, s25;
	v57 =	vld [tilespmem:s29+$0x0];
	v56 =	vadd.f32 v7, v4  }
0x3e: {  	s30 =	sor.u32 $0x30, s25;
	v3 =	vld [tilespmem:s28+$0x0];
	v1 =	vadd.f32 v2, v1;
	v0 =	vadd.f32 v54, v0;
	v2 =	vmul.f32 v7, v4  }
0x3f: {  	s31 =	sor.u32 $0x8030, s25;
	v59 =	vld [tilespmem:s30+$0x0];
	v58 =	vadd.f32 v12, v10  }
0x40: {  	v61 =	vld [tilespmem:s31+$0x0];
	v60 =	vmul.f32 v12, v10;
	v1 =	vadd.f32 v2, v1;
	v0 =	vadd.f32 v56, v0  }
0x41: {  	v2 =	vadd.f32 v55, v53  }
0x42: {  	s24 =	sadd.s32 $0x1, s24;
	v62 =	vmul.f32 v55, v53;
	v1 =	vadd.f32 v60, v1;
	v0 =	vadd.f32 v58, v0  }
0x43: {  	p1 =	sne.s32 s24, $0x20;
	v63 =	vadd.f32 v57, v3  }
.Ltmp3:
0x44: {  	v1 =	vadd.f32 v62, v1;
	v0 =	vadd.f32 v2, v0;
	v2 =	vmul.f32 v57, v3;
	(pc) =	sbr.rel @p1 .LBB2_3-.Ltmp3, $3  }
0x45: {  	v3 =	vadd.f32 v61, v59  }
0x46: {  	v1 =	vadd.f32 v2, v1;
	v0 =	vadd.f32 v63, v0;
	v2 =	vmul.f32 v61, v59;
	_ =	sdelay $0x1  }
0x47: {  	v1 =	vadd.f32 v2, v1;
	v0 =	vadd.f32 v3, v0  }
0x48: {  	s0 =	simm.s32 @p0 $0x0  }
0x49: {  	[tilespmem:s0], [sflag:$0x1] =	stream.linear.gather @p0 [hbm4b:s7+s0], $0x4000, $0x38;
	[tilespmem:$0x10080] =	vst v63  }
0x4a: {  	s23 =	simm.s32 @p0 $0x8000  }
0x4b: {  	[tilespmem:s23], [sflag:$0x3] =	stream.linear.gather @p0 [hbm4b:s8+s0], $0x4000, $0x38;
	[tilespmem:$0x10080] =	vst v63  }
0x4c: {  	_ =	swait.ge [sflag:s18], $0x4000  }
0x4d: {  	[sflag:s18] =	ssyncset.done $0x0  }
0x4e: {  	[sflag:s18] =	ssyncadd.s32 $0xFFFFC000  }
0x4f: {  	_ =	swait.ge [sflag:s19], $0x4000  }
0x50: {  	[sflag:s19] =	ssyncset.done $0x0  }
0x51: {  	s24 =	simm.s32 $0x0;
	s23 =	simm.s32 $0x0;
	[sflag:s19] =	ssyncadd.s32 $0xFFFFC000  }
.LBB2_7:
0x52: {  	s0 =	sshll.u32 s24, $0x9;
	s25 =	sshll.u32 s24, $0x7  }
0x53: {  	s0 =	sand.u32 $0x3000, s0;
	s25 =	sand.u32 $0x380, s25  }
0x54: {  	s30 =	sand.u32 $0x40, s23;
	s26 =	sor.u32 s25, s0  }
0x55: {  	s31 =	sand.u32 $0xC00, s23;
	s0 =	sor.u32 s30, s26  }
0x56: {  	s0 =	sor.u32 s31, s0  }
0x57: {  	v7 =	vld [tilespmem:s0+$0x4000]  }
0x58: {  	v9 =	vld [tilespmem:s0+$0xC000];
	s25 =	sor.u32 $0x4010, s0  }
0x59: {  	s30 =	sor.u32 $0xC010, s0;
	v3 =	vld [tilespmem:s25+$0x0]  }
0x5a: {  	s31 =	sor.u32 $0x4020, s0;
	v6 =	vld [tilespmem:s30+$0x0]  }
0x5b: {  	s28 =	simm.s32 $0x40;
	v2 =	vld [tilespmem:s31+$0x0];
	s30 =	sor.u32 $0xC020, s0  }
0x5c: {  	s29 =	sand.u32 $0x40, s28;
	s28 =	simm.s32 $0x200;
	s31 =	sor.u32 $0x4030, s0;
	v5 =	vld [tilespmem:s30+$0x0]  }
0x5d: {  	s29 =	sor.u32 s29, s26;
	s0 =	sor.u32 $0xC030, s0;
	s30 =	sand.u32 $0xC00, s28;
	v4 =	vld [tilespmem:s31+$0x0]  }
0x5e: {  	s25 =	sor.u32 s30, s29;
	s29 =	simm.s32 $0x80;
	v8 =	vadd.f32 v9, v7;
	v9 =	vmul.f32 v9, v7;
	v7 =	vld [tilespmem:s0+$0x0]  }
.LBB2_8:
0x5f: {  	p1 =	sne.s32 s29, $0x1C0;
	v10 =	vld [tilespmem:s25+$0x4000];
	v11 =	vadd.f32 v6, v3  }
0x60: {  	s0 =	sor.u32 $0x4010, s25;
	v12 =	vld [tilespmem:s25+$0xC000];
	v1 =	vadd.f32 v9, v1;
	v0 =	vadd.f32 v8, v0;
	v8 =	vmul.f32 v6, v3  }
0x61: {  	v3 =	vld [tilespmem:s0+$0x0];
	s0 =	sor.u32 $0xC010, s25;
	v9 =	vadd.f32 v5, v2  }
.Ltmp4:
0x62: {  	v6 =	vld [tilespmem:s0+$0x0];
	s0 =	sor.u32 $0x4020, s25;
	v1 =	vadd.f32 v8, v1;
	v0 =	vadd.f32 v11, v0;
	v8 =	vmul.f32 v5, v2;
	(pc) =	sbr.rel @p1 .LBB2_8-.Ltmp4, $4  }
0x63: {  	v2 =	vld [tilespmem:s0+$0x0];
	s0 =	sor.u32 $0xC020, s25;
	v11 =	vadd.f32 v7, v4  }
0x64: {  	s30 =	sand.u32 $0x40, s29;
	s28 =	sadd.s32 $0x200, s28;
	v13 =	vmul.f32 v7, v4;
	v5 =	vld [tilespmem:s0+$0x0];
	s0 =	sor.u32 $0x4030, s25;
	v1 =	vadd.f32 v8, v1;
	v0 =	vadd.f32 v9, v0  }
0x65: {  	s31 =	sand.u32 $0xC00, s28;
	s30 =	sor.u32 s30, s26;
	v8 =	vadd.f32 v12, v10;
	v4 =	vld [tilespmem:s0+$0x0];
	s0 =	sor.u32 $0xC030, s25  }
0x66: {  	s29 =	sadd.s32 $0x40, s29;
	s25 =	sor.u32 s31, s30;
	v9 =	vmul.f32 v12, v10;
	v7 =	vld [tilespmem:s0+$0x0];
	v1 =	vadd.f32 v13, v1;
	v0 =	vadd.f32 v11, v0  }
0x67: {  	v10 =	vld [tilespmem:s25+$0x4000];
	v11 =	vadd.f32 v6, v3  }
0x68: {  	v12 =	vld [tilespmem:s25+$0xC000];
	s0 =	sor.u32 $0x4010, s25;
	v3 =	vmul.f32 v6, v3;
	v1 =	vadd.f32 v9, v1;
	v0 =	vadd.f32 v8, v0  }
0x69: {  	s26 =	sor.u32 $0xC010, s25;
	v53 =	vld [tilespmem:s0+$0x0];
	v54 =	vadd.f32 v5, v2  }
0x6a: {  	s29 =	sor.u32 $0xC020, s25;
	v55 =	vld [tilespmem:s26+$0x0];
	v2 =	vmul.f32 v5, v2;
	v1 =	vadd.f32 v3, v1;
	v0 =	vadd.f32 v11, v0  }
0x6b: {  	s28 =	sor.u32 $0x4020, s25;
	v57 =	vld [tilespmem:s29+$0x0];
	v56 =	vadd.f32 v7, v4  }
0x6c: {  	s30 =	sor.u32 $0x4030, s25;
	v3 =	vld [tilespmem:s28+$0x0];
	v1 =	vadd.f32 v2, v1;
	v0 =	vadd.f32 v54, v0;
	v2 =	vmul.f32 v7, v4  }
0x6d: {  	s31 =	sor.u32 $0xC030, s25;
	v59 =	vld [tilespmem:s30+$0x0];
	v58 =	vadd.f32 v12, v10  }
0x6e: {  	v61 =	vld [tilespmem:s31+$0x0];
	v60 =	vmul.f32 v12, v10;
	v1 =	vadd.f32 v2, v1;
	v0 =	vadd.f32 v56, v0  }
0x6f: {  	v2 =	vadd.f32 v55, v53  }
0x70: {  	s24 =	sadd.s32 $0x1, s24;
	v62 =	vmul.f32 v55, v53;
	v1 =	vadd.f32 v60, v1;
	v0 =	vadd.f32 v58, v0  }
0x71: {  	p1 =	sne.s32 s24, $0x20;
	v63 =	vadd.f32 v57, v3  }
.Ltmp5:
0x72: {  	v1 =	vadd.f32 v62, v1;
	v0 =	vadd.f32 v2, v0;
	v2 =	vmul.f32 v57, v3;
	(pc) =	sbr.rel @p1 .LBB2_7-.Ltmp5, $3  }
0x73: {  	v3 =	vadd.f32 v61, v59  }
0x74: {  	v1 =	vadd.f32 v2, v1;
	v0 =	vadd.f32 v63, v0;
	v2 =	vmul.f32 v61, v59;
	_ =	sdelay $0x1  }
0x75: {  	v1 =	vadd.f32 v2, v1;
	v0 =	vadd.f32 v3, v0  }
.Ltmp6:
0x76: {  	(pc) =	sbr.rel @!p0 .LBB2_12-.Ltmp6, $1  }
0x77: {  	_ =	sdelay $0x3  }
.Ltmp7:
0x78: {  	(pc) =	sbr.rel .LBB2_2-.Ltmp7, $3  }
0x79: {  	_ =	sdelay $0x1  }
0x7a: {  	[tilespmem:s14], [sflag:$0x2] =	stream.linear.gather [hbm4b:s9+s2], $0x4000, $0x38;
	[tilespmem:$0x10080] =	vst v63  }
0x7b: {  	p0 =	por $0x0, $0x0;
	s24 =	smov.u32 s10  }
.LBB2_13:
0x7c: {  	_ =	sfence.sel $0x180000  }
0x7d: {  	[bflag:$0x0] =	sbarrier.arrive $0xFFFF  }
0x7e: {  	_ =	strace $0x90000047  }
0x7f: {  	[bflag:$0x2] =	sbarrier.arrive $0xFFFF  }
0x80: {  	p0 =	sne.s32 s1, $0x0;
	s0 =	rddreg [dreg:$0x3]  }
0x81: {  	s0 =	sadd.s32 @!p0 $0x100000, s0  }
0x82: {  	[sflag:s0] =	ssyncadd.tile.s32 @!p0 $0x1;
	_ =	shalt  }
.Lfunc_end2:
_tile_overlayer_lowered:
.L_overlay_start_2:
0x83: {  	(tag) =	ssettag $0x2  }
0x84: {  	s0 =	rddreg [dreg:$0x0];
	s2 =	stileid.u32  }
0x85: {  	s1 =	rddreg [dreg:$0x1];
	p0 =	sne.s32 s2, $0x0  }
0x86: {  	s3 =	rddreg [dreg:$0x2];
	[bflag:$0x3] =	sbarrier.arrive $0xFFFF;
	s2 =	simm.s32 @!p0 $0x1C05  }
0x87: {  	[timem:s3], [sflag:s2] =	dma.local @!p0 [hbm:s0], s1  }
0x88: {  	s0 =	simm.s32 @!p0 $0x5  }
0x89: {  	_ =	swait.ge @!p0 [sflag:s0], s1  }
0x8a: {  	s1 =	ssub.s32 @!p0 $0x0, s1;
	[sflag:s0] =	ssyncset.done @!p0 $0x0  }
0x8b: {  	[sflag:s0] =	ssyncadd.s32 @!p0 s1  }
0x8c: {  	[bflag:$0x3] =	sbarrier.arrive $0xFFFF  }
0x8d: {  	_ =	shalt  }

</sc_bundles>
